<compile_context>
chip_gen: v7x
topology: tpu7x:2x2x1
jax: 0.10.2.dev20260603
libtpu: 0.0.44.dev20260713+nightly
codegen_flags: <defaults>
</compile_context>

<pallas_src>
import jax
import jax.numpy as jnp
from jax.experimental import pallas as pl
from jax.experimental.pallas import tpu as pltpu
from jax.experimental.pallas import tpu_sc as plsc
import functools

_NUM_USERS = 100000
_T = 128
_D = 128
_DS = 64
_DK = 64
_ANY = pl.ANY
_SMEM = pltpu.MemorySpace.SMEM

_CHUNK = 4000
_NCHUNK = 50
_SLOTS = 16
_PACE = 2


_NW = 32
_BPW = 16


def _sc_gather(dyn, stat, kg, idx_dyn, idx_stat, idx_kg):
    mesh = plsc.VectorSubcoreMesh(core_axis_name="c", subcore_axis_name="s")

    @functools.partial(
        pl.kernel,
        out_type=[
            jax.ShapeDtypeStruct((_NW * _BPW, _D), jnp.float32),
            jax.ShapeDtypeStruct((_NW * _BPW, _D), jnp.float32),
            jax.ShapeDtypeStruct((_NW * _BPW, _D), jnp.float32),
        ],
        mesh=mesh,
        scratch_types=[
            pltpu.VMEM((_BPW,), jnp.int32),
            pltpu.VMEM((_BPW,), jnp.int32),
            pltpu.VMEM((_BPW,), jnp.int32),
            pltpu.VMEM((_BPW, _D), jnp.float32),
            pltpu.VMEM((_BPW, _D), jnp.float32),
            pltpu.VMEM((_BPW, _D), jnp.float32),
            pltpu.SemaphoreType.DMA,
        ],
    )
    def _k(dyn_hbm, stat_hbm, kg_hbm, idxd_hbm, idxs_hbm, idxk_hbm,
           outd_hbm, outs_hbm, outk_hbm,
           idxd_v, idxs_v, idxk_v, rowsd_v, rowss_v, rowsk_v, sem):
        wid = jax.lax.axis_index("s") * 2 + jax.lax.axis_index("c")
        base = wid * _BPW
        pltpu.sync_copy(idxd_hbm.at[pl.ds(base, _BPW)], idxd_v)
        pltpu.sync_copy(idxs_hbm.at[pl.ds(base, _BPW)], idxs_v)
        pltpu.sync_copy(idxk_hbm.at[pl.ds(base, _BPW)], idxk_v)
        cd = pltpu.async_copy(dyn_hbm.at[idxd_v], rowsd_v, sem)
        cs = pltpu.async_copy(stat_hbm.at[idxs_v], rowss_v, sem)
        ck = pltpu.async_copy(kg_hbm.at[idxk_v], rowsk_v, sem)
        cd.wait()
        cs.wait()
        ck.wait()
        pltpu.sync_copy(rowsd_v, outd_hbm.at[pl.ds(base, _BPW)])
        pltpu.sync_copy(rowss_v, outs_hbm.at[pl.ds(base, _BPW)])
        pltpu.sync_copy(rowsk_v, outk_hbm.at[pl.ds(base, _BPW)])

    return _k(dyn, stat, kg, idx_dyn, idx_stat, idx_kg)


def _body(emb_hbm, rows_dyn, rows_stat, rows_kg,
          par_u_r, par_l_r, par_p_r, par_k_r,
          iu_s, il_s, srcu_s, srcl_s, srcp_s, lastu_s, lastl_s,
          W_eu, W_el, W_kg, bc, pw, pb, gp, gk, bp, bk,
          Wp0, Wp1, Wp2, Wp3, Wp4, predb, du_col, dl_col,
          out_emb, loss_ref,
          u_pool, l_pool, kg_aug,
          e_u_all, e_l_all, e_p_all,
          cbuf, sem_in, sem_out, sem_s):

    def _copy_in(i):
        return pltpu.make_async_copy(
            emb_hbm.at[pl.ds(i * _CHUNK, _CHUNK)],
            cbuf.at[jax.lax.rem(i, _SLOTS)],
            sem_in.at[jax.lax.rem(i, _SLOTS)])

    def _copy_out(i):
        return pltpu.make_async_copy(
            cbuf.at[jax.lax.rem(i, _SLOTS)],
            out_emb.at[pl.ds(i * _CHUNK, _CHUNK)],
            sem_out.at[jax.lax.rem(i, _SLOTS)])

    for i in range(_SLOTS // 2):
        _copy_in(i).start()

    u_pool[0:_T, :] = rows_dyn[0:_T, :]
    l_pool[0:_T, :] = rows_dyn[_T:2 * _T, :]
    l_pool[2 * _T:3 * _T, :] = rows_dyn[2 * _T:3 * _T, :]

    kg_sel = jnp.where(par_k_r[:, :] > 0,
                       rows_kg[0:_T, _DK:], rows_kg[0:_T, 0:_DK])
    kg_aug[:, 0:_DK] = kg_sel
    kg_aug[:, _DK:_DK + 1] = du_col[:, :]
    kg_aug[:, _DK + 1:_DK + 2] = dl_col[:, :]
    kg_aug[:, _DK + 2:] = jnp.zeros((_T, _D - _DK - 2), jnp.float32)

    def _step(t, _):
        @pl.when((jax.lax.rem(t, _PACE) == 0) & (t < _PACE * _NCHUNK))
        def _():
            i = t // _PACE
            _copy_in(i).wait()
            _copy_out(i).start()
            j = i + _SLOTS // 2

            @pl.when(j < _NCHUNK)
            def _():
                @pl.when(j >= _SLOTS)
                def _():
                    _copy_out(jnp.maximum(j - _SLOTS, 0)).wait()
                _copy_in(j).start()

        e_u = u_pool[pl.ds(srcu_s[t], 1), :]
        e_l = l_pool[pl.ds(srcl_s[t], 1), :]
        e_p = l_pool[pl.ds(srcp_s[t], 1), :]
        e_u_all[pl.ds(t, 1), :] = e_u
        e_l_all[pl.ds(t, 1), :] = e_l
        e_p_all[pl.ds(t, 1), :] = e_p
        kga = kg_aug[pl.ds(t, 1), :]
        h = (jnp.dot(e_u, W_eu[:, :], preferred_element_type=jnp.float32)
             + jnp.dot(e_l, W_el[:, :], preferred_element_type=jnp.float32)
             + jnp.dot(kga, W_kg[:, :], preferred_element_type=jnp.float32)
             + bc[:, :])
        act = jnp.tanh(h)
        u = act[:, :_D]
        l = act[:, _D:]
        un = u / jnp.maximum(
            jnp.sqrt(jnp.sum(u * u, axis=1, keepdims=True)), 1e-12)
        ln = l / jnp.maximum(
            jnp.sqrt(jnp.sum(l * l, axis=1, keepdims=True)), 1e-12)
        u_pool[pl.ds(_T + t, 1), :] = un
        l_pool[pl.ds(_T + t, 1), :] = ln
        return 0

    jax.lax.fori_loop(0, _T, _step, 0)

    eu = e_u_all[:, :]
    el = e_l_all[:, :]
    ep = e_p_all[:, :]
    kg = kg_aug[:, 0:_DK]
    stat_u = jnp.where(par_u_r[:, :] > 0,
                       rows_stat[0:_T, _DS:_D], rows_stat[0:_T, 0:_DS])
    stat_l = jnp.where(par_l_r[:, :] > 0,
                       rows_stat[_T:2 * _T, _DS:_D], rows_stat[_T:2 * _T, 0:_DS])
    stat_p = jnp.where(par_p_r[:, :] > 0,
                       rows_stat[2 * _T:3 * _T, _DS:_D],
                       rows_stat[2 * _T:3 * _T, 0:_DS])
    proj = eu * (1.0 + du_col[:, :] * pw[:, :] + pb[:, :])
    denom = float(_D + _DK)
    mu = (jnp.sum(ep, axis=1, keepdims=True)
          + jnp.sum(kg, axis=1, keepdims=True)) / denom
    var = (jnp.sum((ep - mu) ** 2, axis=1, keepdims=True)
           + jnp.sum((kg - mu) ** 2, axis=1, keepdims=True)) / denom
    inv = jax.lax.rsqrt(var + 1e-5)
    ln_p = (ep - mu) * inv * gp[:, :] + bp[:, :]
    ln_k = (kg - mu) * inv * gk[:, :] + bk[:, :]
    pred = (jnp.dot(proj, Wp0[:, :], preferred_element_type=jnp.float32)
            + jnp.dot(ln_p, Wp1[:, :], preferred_element_type=jnp.float32)
            + jnp.dot(ln_k, Wp2[:, :], preferred_element_type=jnp.float32)
            + jnp.dot(stat_p, Wp3[:, :],
                      preferred_element_type=jnp.float32)
            + jnp.dot(stat_u, Wp4[:, :],
                      preferred_element_type=jnp.float32)
            + predb[:, :])
    d0 = pred[:, :_D] - el
    d1 = pred[:, _D:] - stat_l
    loss_pred = (jnp.sum(d0 * d0) + jnp.sum(d1 * d1)) / float(_D + _DS)
    du_ = u_pool[_T:, :] - eu
    dl_ = l_pool[_T:2 * _T, :] - el
    loss_rnn = (jnp.sum(du_ * du_) + jnp.sum(dl_ * dl_)) / float(_D)
    loss_ref[:, :] = jnp.reshape(loss_pred + loss_rnn, (1, 1))

    for i in range(_NCHUNK - _SLOTS, _NCHUNK):
        _copy_out(i).wait()

    def _scat(t):
        return (
            pltpu.make_async_copy(u_pool.at[pl.ds(_T + t, 1)],
                                  out_emb.at[pl.ds(iu_s[t], 1)], sem_s),
            pltpu.make_async_copy(l_pool.at[pl.ds(_T + t, 1)],
                                  out_emb.at[pl.ds(il_s[t], 1)], sem_s),
        )

    def _scat_start(t, _):
        cu, cl = _scat(t)

        @pl.when(lastu_s[t] != 0)
        def _():
            cu.start()

        @pl.when(lastl_s[t] != 0)
        def _():
            cl.start()
        return 0

    def _scat_wait(t, _):
        cu, cl = _scat(t)

        @pl.when(lastu_s[t] != 0)
        def _():
            cu.wait()

        @pl.when(lastl_s[t] != 0)
        def _():
            cl.wait()
        return 0

    jax.lax.fori_loop(0, _T, _scat_start, 0)
    jax.lax.fori_loop(0, _T, _scat_wait, 0)


def kernel(embedding, idx_user, idx_loca, idx_prev, idx_know, delta_u, delta_l,
           embedding_static, embedding_kg, proj_W, proj_b, ln_gamma, ln_beta,
           pred_W, pred_b, ru_Wih, ru_Whh, ru_bih, ru_bhh,
           rl_Wih, rl_Whh, rl_bih, rl_bhh):
    iu = idx_user.astype(jnp.int32)
    il = (idx_loca + _NUM_USERS).astype(jnp.int32)
    ip = (idx_prev + _NUM_USERS).astype(jnp.int32)
    ik = idx_know.astype(jnp.int32)

    t_ids = jnp.arange(_T, dtype=jnp.int32)
    prev_mask = t_ids[None, :] < t_ids[:, None]
    next_mask = t_ids[None, :] > t_ids[:, None]

    def _last_prev(read_idx, write_idx):
        eq = write_idx[None, :] == read_idx[:, None]
        hit = jnp.where(eq & prev_mask, t_ids[None, :] + 1, 0)
        return jnp.max(hit, axis=1) - 1

    lpu = _last_prev(iu, iu)
    srcu = jnp.where(lpu >= 0, _T + lpu, t_ids).astype(jnp.int32)
    lpl = _last_prev(il, il)
    srcl = jnp.where(lpl >= 0, _T + lpl, t_ids).astype(jnp.int32)
    lpp = _last_prev(ip, il)
    srcp = jnp.where(lpp >= 0, _T + lpp, 2 * _T + t_ids).astype(jnp.int32)

    def _is_last(idx):
        eq = idx[None, :] == idx[:, None]
        return (~jnp.any(eq & next_mask, axis=1)).astype(jnp.int32)

    lastu = _is_last(iu)
    lastl = _is_last(il)

    W_eu = jnp.concatenate([ru_Whh.T, rl_Wih[:, :_D].T], axis=1)
    W_el = jnp.concatenate([ru_Wih[:, :_D].T, rl_Whh.T], axis=1)
    zcol = jnp.zeros((_D,), jnp.float32)
    W_kg = jnp.concatenate([
        jnp.concatenate([ru_Wih[:, _D:_D + _DK].T,
                         rl_Wih[:, _D:_D + _DK].T], axis=1),
        jnp.concatenate([ru_Wih[:, _D + _DK], zcol])[None, :],
        jnp.concatenate([zcol, rl_Wih[:, _D + _DK]])[None, :],
        jnp.zeros((_D - _DK - 2, 2 * _D), jnp.float32),
    ], axis=0)
    bc = jnp.concatenate([ru_bih + ru_bhh, rl_bih + rl_bhh])[None, :]

    Wp = pred_W.T
    Wp0 = Wp[:_D]
    Wp1 = Wp[_D:2 * _D]
    Wp2 = Wp[2 * _D:2 * _D + _DK]
    Wp3 = Wp[2 * _D + _DK:2 * _D + 2 * _DK]
    Wp4 = Wp[2 * _D + 2 * _DK:]

    idx_dyn = jnp.concatenate([iu, il, ip,
                               jnp.zeros((_NW * _BPW - 3 * _T,), jnp.int32)])
    idx_stat = idx_dyn // 2
    idx_kg = jnp.concatenate([ik // 2,
                              jnp.zeros((_NW * _BPW - _T,), jnp.int32)])
    par_u = (iu % 2).astype(jnp.int32)[:, None]
    par_l = (il % 2).astype(jnp.int32)[:, None]
    par_p = (ip % 2).astype(jnp.int32)[:, None]
    par_k = (ik % 2).astype(jnp.int32)[:, None]
    stat2 = embedding_static.reshape(-1, _D)
    kg2 = embedding_kg.reshape(-1, _D)
    rows_dyn, rows_stat, rows_kg = _sc_gather(
        embedding, stat2, kg2, idx_dyn, idx_stat, idx_kg)

    out_emb, loss = pl.pallas_call(
        _body,
        out_shape=[
            jax.ShapeDtypeStruct(embedding.shape, jnp.float32),
            jax.ShapeDtypeStruct((1, 1), jnp.float32),
        ],
        in_specs=[
            pl.BlockSpec(memory_space=_ANY),
        ] + [pl.BlockSpec(memory_space=pltpu.MemorySpace.VMEM)] * 7
          + [pl.BlockSpec(memory_space=_SMEM)] * 7
          + [pl.BlockSpec(memory_space=pltpu.MemorySpace.VMEM)] * 18,
        out_specs=[
            pl.BlockSpec(memory_space=_ANY),
            pl.BlockSpec(memory_space=pltpu.MemorySpace.VMEM),
        ],
        scratch_shapes=[
            pltpu.VMEM((2 * _T, _D), jnp.float32),
            pltpu.VMEM((3 * _T, _D), jnp.float32),
            pltpu.VMEM((_T, _D), jnp.float32),
            pltpu.VMEM((_T, _D), jnp.float32),
            pltpu.VMEM((_T, _D), jnp.float32),
            pltpu.VMEM((_T, _D), jnp.float32),
            pltpu.VMEM((_SLOTS, _CHUNK, _D), jnp.float32),
            pltpu.SemaphoreType.DMA((_SLOTS,)),
            pltpu.SemaphoreType.DMA((_SLOTS,)),
            pltpu.SemaphoreType.DMA,
        ],
    )(embedding, rows_dyn, rows_stat, rows_kg,
      par_u, par_l, par_p, par_k,
      iu, il, srcu, srcl, srcp, lastu, lastl,
      W_eu, W_el, W_kg, bc,
      proj_W[:, 0][None, :], proj_b[None, :],
      ln_gamma[:, :_D], ln_gamma[:, _D:], ln_beta[:, :_D], ln_beta[:, _D:],
      Wp0, Wp1, Wp2, Wp3, Wp4, pred_b[None, :],
      delta_u[:, None], delta_l[:, None])
    return out_emb, loss[0, 0]

# --- scband reference (transcript-rebuilt; emitter-appended) ---
"""Pipeline reference for scband-jodie-82429012344975 (READ-ONLY COPY).

The authoritative reference and input builder live on the scoring server;
editing this copy changes nothing except your own understanding.
"""

import jax, jax.numpy as jnp
import numpy as np

NUM_USERS = 100000
NUM_LOCAS = 100000
D_DYN = 128
D_STATIC = 64
KG_ROWS = 5000
D_KG = 64
N_EVENTS = 128


def setup_inputs(seed: int = 0):
    key = jax.random.key(seed)
    ks = jax.random.split(key, 20)
    n_rows = NUM_USERS + NUM_LOCAS
    in_rnn = D_DYN + D_KG + 1
    in_pred = 2 * D_STATIC + 2 * D_DYN + D_KG
    out_pred = D_STATIC + D_DYN
    s = 1.0 / np.sqrt(D_DYN)
    sp = 1.0 / np.sqrt(in_pred)
    return {
        "embedding": jax.random.normal(ks[0], (n_rows, D_DYN), jnp.float32) * 0.1,
        "idx_user": jax.random.randint(ks[1], (N_EVENTS,), 0, NUM_USERS),
        "idx_loca": jax.random.randint(ks[2], (N_EVENTS,), 0, NUM_LOCAS),
        "idx_prev": jax.random.randint(ks[3], (N_EVENTS,), 0, NUM_LOCAS),
        "idx_know": jax.random.randint(ks[4], (N_EVENTS,), 0, KG_ROWS),
        "delta_u": jax.random.uniform(ks[5], (N_EVENTS,), jnp.float32),
        "delta_l": jax.random.uniform(ks[6], (N_EVENTS,), jnp.float32),
        "embedding_static": jax.random.normal(ks[7], (n_rows, D_STATIC), jnp.float32) * 0.1,
        "embedding_kg": jax.random.normal(ks[8], (KG_ROWS, D_KG), jnp.float32) * 0.1,
        "proj_W": jax.random.normal(ks[9], (D_DYN, 1), jnp.float32),
        "proj_b": jax.random.normal(ks[10], (D_DYN,), jnp.float32),
        "ln_gamma": jnp.ones((1, D_DYN + D_KG), jnp.float32),
        "ln_beta": jnp.zeros((1, D_DYN + D_KG), jnp.float32),
        "pred_W": jax.random.uniform(ks[11], (out_pred, in_pred), jnp.float32, -sp, sp),
        "pred_b": jax.random.uniform(ks[12], (out_pred,), jnp.float32, -sp, sp),
        "ru_Wih": jax.random.uniform(ks[13], (D_DYN, in_rnn), jnp.float32, -s, s),
        "ru_Whh": jax.random.uniform(ks[14], (D_DYN, D_DYN), jnp.float32, -s, s),
        "ru_bih": jax.random.uniform(ks[15], (D_DYN,), jnp.float32, -s, s),
        "ru_bhh": jax.random.uniform(ks[16], (D_DYN,), jnp.float32, -s, s),
        "rl_Wih": jax.random.uniform(ks[17], (D_DYN, in_rnn), jnp.float32, -s, s),
        "rl_Whh": jax.random.uniform(ks[18], (D_DYN, D_DYN), jnp.float32, -s, s),
        "rl_bih": jax.random.uniform(ks[19], (D_DYN,), jnp.float32, -s, s),
        "rl_bhh": jnp.zeros((D_DYN,), jnp.float32),
    }


def _normalize(x):
    # F.normalize(x) with default p=2, dim=1, eps=1e-12
    return x / jnp.maximum(jnp.linalg.norm(x, axis=1, keepdims=True), 1e-12)


def reference(embedding, idx_user, idx_loca, idx_prev, idx_know, delta_u, delta_l,
              embedding_static, embedding_kg, proj_W, proj_b, ln_gamma, ln_beta,
              pred_W, pred_b, ru_Wih, ru_Whh, ru_bih, ru_bhh,
              rl_Wih, rl_Whh, rl_bih, rl_bhh):
    il_all = idx_loca + NUM_USERS
    ip_all = idx_prev + NUM_USERS

    def step(carry, ev):
        emb, loss = carry
        iu, il, ip, ik, du, dl = ev
        e_u = emb[iu][None, :]
        e_l = emb[il][None, :]
        e_p = emb[ip][None, :]
        # projection: embedding_user * (1 + Linear(1->D)(delta_u))
        proj = e_u * (1.0 + du * proj_W[:, 0] + proj_b)
        # LayerNorm over normalized_shape (1, D_DYN + D_KG)
        ln_in = jnp.concatenate([e_p, embedding_kg[ik][None, :]], axis=1)
        mu = jnp.mean(ln_in)
        var = jnp.var(ln_in)
        ln_out = (ln_in - mu) / jnp.sqrt(var + 1e-5) * ln_gamma + ln_beta
        meta = jnp.concatenate([proj, ln_out, embedding_static[ip][None, :], embedding_static[iu][None, :]], axis=1)
        pred = meta @ pred_W.T + pred_b
        target = jax.lax.stop_gradient(jnp.concatenate([e_l, embedding_static[il][None, :]], axis=1))
        loss = loss + jnp.mean((pred - target) ** 2)
        # RNNCell updates (tanh), using pre-update embeddings for both
        inp_u = jnp.concatenate([e_l, embedding_kg[ik][None, :], jnp.reshape(du, (1, 1))], axis=1)
        new_u = _normalize(jnp.tanh(inp_u @ ru_Wih.T + ru_bih + e_u @ ru_Whh.T + ru_bhh))
        inp_l = jnp.concatenate([e_u, embedding_kg[ik][None, :], jnp.reshape(dl, (1, 1))], axis=1)
        new_l = _normalize(jnp.tanh(inp_l @ rl_Wih.T + rl_bih + e_l @ rl_Whh.T + rl_bhh))
        loss = loss + jnp.mean((new_u - jax.lax.stop_gradient(e_u)) ** 2)
        loss = loss + jnp.mean((new_l - jax.lax.stop_gradient(e_l)) ** 2)
        # scatter-overwrite into dynamic memory
        emb = emb.at[iu].set(new_u[0]).at[il].set(new_l[0])
        return (emb, loss), None

    (embedding, loss), _ = jax.lax.scan(
        step, (embedding, jnp.float32(0.0)),
        (idx_user, il_all, ip_all, idx_know, delta_u, delta_l))
    return embedding, loss

if __name__ == "__main__":
    import jax
    _d = setup_inputs()
    print(jax.jit(kernel)(*tuple(_d.values())))

</pallas_src>

<mosaic_0001>
#map = affine_map<(d0, d1) -> (0, 0)>
#map1 = affine_map<(d0, d1) -> (0)>
module attributes {stable_mosaic.version = 14 : i64} {
  func.func @_k(%arg0: i32, %arg1: i32, %arg2: memref<200000x128xf32, #tpu.memory_space<hbm>>, %arg3: memref<100000x128xf32, #tpu.memory_space<hbm>>, %arg4: memref<2500x128xf32, #tpu.memory_space<hbm>>, %arg5: memref<512xi32, #tpu.memory_space<hbm>>, %arg6: memref<512xi32, #tpu.memory_space<hbm>>, %arg7: memref<512xi32, #tpu.memory_space<hbm>>, %arg8: memref<512x128xf32, #tpu.memory_space<hbm>>, %arg9: memref<512x128xf32, #tpu.memory_space<hbm>>, %arg10: memref<512x128xf32, #tpu.memory_space<hbm>>, %arg11: memref<16xi32, #tpu.memory_space<vmem>>, %arg12: memref<16xi32, #tpu.memory_space<vmem>>, %arg13: memref<16xi32, #tpu.memory_space<vmem>>, %arg14: memref<16x128xf32, #tpu.memory_space<vmem>>, %arg15: memref<16x128xf32, #tpu.memory_space<vmem>>, %arg16: memref<16x128xf32, #tpu.memory_space<vmem>>, %arg17: memref<!tpu.dma_semaphore, #tpu.memory_space<semaphore_mem>>) attributes {dimension_semantics = [#tpu.dimension_semantics<core_parallel>, #tpu.dimension_semantics<subcore_parallel>], iteration_bounds = array<i64: 2, 16>, scalar_prefetch = 0 : i64, scratch_operands = 7 : i64, tpu.core_type = #tpu.core_type<sc_vector_subcore>, window_params = [{transform_indices = #map}, {transform_indices = #map}, {transform_indices = #map}, {transform_indices = #map1}, {transform_indices = #map1}, {transform_indices = #map1}, {transform_indices = #map}, {transform_indices = #map}, {transform_indices = #map}]} {
    %mul3A = arith.constant 2 : i32
    %mul3A_0 = arith.muli %arg1, %mul3A : i32
    %add3A = arith.addi %mul3A_0, %arg0 : i32
    %mul3A_1 = arith.constant 16 : i32
    %mul3A_2 = arith.muli %add3A, %mul3A_1 : i32
    "tpu.region"() ({
      %run_scoped3A = tpu.sem_alloc : memref<!tpu.dma_semaphore, #tpu.memory_space<semaphore_mem>>
      %dma_start3A_19 = tpu.memref_slice %arg5[%mul3A_2] : memref<512xi32, #tpu.memory_space<hbm>> -> memref<16xi32, #tpu.memory_space<hbm>>
      %dma_start3A_20 = tpu.memref_slice %arg5[%mul3A_2] : memref<512xi32, #tpu.memory_space<hbm>> -> memref<16xi32, #tpu.memory_space<hbm>>
      tpu.enqueue_dma source(%dma_start3A_20 : memref<16xi32, #tpu.memory_space<hbm>>) target(%arg11 : memref<16xi32, #tpu.memory_space<vmem>>) target_semaphore(%run_scoped3A : memref<!tpu.dma_semaphore, #tpu.memory_space<semaphore_mem>>)
      %dma_wait3A_21 = tpu.memref_slice %arg5[%mul3A_2] : memref<512xi32, #tpu.memory_space<hbm>> -> memref<16xi32, #tpu.memory_space<hbm>>
      %dma_wait3A_22 = tpu.memref_slice %arg5[%mul3A_2] : memref<512xi32, #tpu.memory_space<hbm>> -> memref<16xi32, #tpu.memory_space<hbm>>
      tpu.wait_dma2 semaphore(%run_scoped3A : memref<!tpu.dma_semaphore, #tpu.memory_space<semaphore_mem>>) src(%dma_wait3A_22 : memref<16xi32, #tpu.memory_space<hbm>>) dst(%arg11 : memref<16xi32, #tpu.memory_space<vmem>>)
      tpu.yield
    }) : () -> ()
    "tpu.region"() ({
      %run_scoped3A = tpu.sem_alloc : memref<!tpu.dma_semaphore, #tpu.memory_space<semaphore_mem>>
      %dma_start3A_19 = tpu.memref_slice %arg6[%mul3A_2] : memref<512xi32, #tpu.memory_space<hbm>> -> memref<16xi32, #tpu.memory_space<hbm>>
      %dma_start3A_20 = tpu.memref_slice %arg6[%mul3A_2] : memref<512xi32, #tpu.memory_space<hbm>> -> memref<16xi32, #tpu.memory_space<hbm>>
      tpu.enqueue_dma source(%dma_start3A_20 : memref<16xi32, #tpu.memory_space<hbm>>) target(%arg12 : memref<16xi32, #tpu.memory_space<vmem>>) target_semaphore(%run_scoped3A : memref<!tpu.dma_semaphore, #tpu.memory_space<semaphore_mem>>)
      %dma_wait3A_21 = tpu.memref_slice %arg6[%mul3A_2] : memref<512xi32, #tpu.memory_space<hbm>> -> memref<16xi32, #tpu.memory_space<hbm>>
      %dma_wait3A_22 = tpu.memref_slice %arg6[%mul3A_2] : memref<512xi32, #tpu.memory_space<hbm>> -> memref<16xi32, #tpu.memory_space<hbm>>
      tpu.wait_dma2 semaphore(%run_scoped3A : memref<!tpu.dma_semaphore, #tpu.memory_space<semaphore_mem>>) src(%dma_wait3A_22 : memref<16xi32, #tpu.memory_space<hbm>>) dst(%arg12 : memref<16xi32, #tpu.memory_space<vmem>>)
      tpu.yield
    }) : () -> ()
    "tpu.region"() ({
      %run_scoped3A = tpu.sem_alloc : memref<!tpu.dma_semaphore, #tpu.memory_space<semaphore_mem>>
      %dma_start3A_19 = tpu.memref_slice %arg7[%mul3A_2] : memref<512xi32, #tpu.memory_space<hbm>> -> memref<16xi32, #tpu.memory_space<hbm>>
      %dma_start3A_20 = tpu.memref_slice %arg7[%mul3A_2] : memref<512xi32, #tpu.memory_space<hbm>> -> memref<16xi32, #tpu.memory_space<hbm>>
      tpu.enqueue_dma source(%dma_start3A_20 : memref<16xi32, #tpu.memory_space<hbm>>) target(%arg13 : memref<16xi32, #tpu.memory_space<vmem>>) target_semaphore(%run_scoped3A : memref<!tpu.dma_semaphore, #tpu.memory_space<semaphore_mem>>)
      %dma_wait3A_21 = tpu.memref_slice %arg7[%mul3A_2] : memref<512xi32, #tpu.memory_space<hbm>> -> memref<16xi32, #tpu.memory_space<hbm>>
      %dma_wait3A_22 = tpu.memref_slice %arg7[%mul3A_2] : memref<512xi32, #tpu.memory_space<hbm>> -> memref<16xi32, #tpu.memory_space<hbm>>
      tpu.wait_dma2 semaphore(%run_scoped3A : memref<!tpu.dma_semaphore, #tpu.memory_space<semaphore_mem>>) src(%dma_wait3A_22 : memref<16xi32, #tpu.memory_space<hbm>>) dst(%arg13 : memref<16xi32, #tpu.memory_space<vmem>>)
      tpu.yield
    }) : () -> ()
    %dma_start3A = arith.constant 0 : i32
    %dma_start3A_3 = arith.constant 0 : i32
    %dma_start3A_4 = tpu.memref_slice %arg2[%dma_start3A, %dma_start3A_3] : memref<200000x128xf32, #tpu.memory_space<hbm>> -> memref<200000x128xf32, #tpu.memory_space<hbm>>
    tpu.enqueue_indirect_dma source(%dma_start3A_4 : memref<200000x128xf32, #tpu.memory_space<hbm>>) target(%arg14 : memref<16x128xf32, #tpu.memory_space<vmem>>) offsets(%arg11 : memref<16xi32, #tpu.memory_space<vmem>>) semaphore(%arg17 : memref<!tpu.dma_semaphore, #tpu.memory_space<semaphore_mem>>)
    %dma_start3A_5 = arith.constant 0 : i32
    %dma_start3A_6 = arith.constant 0 : i32
    %dma_start3A_7 = tpu.memref_slice %arg3[%dma_start3A_5, %dma_start3A_6] : memref<100000x128xf32, #tpu.memory_space<hbm>> -> memref<100000x128xf32, #tpu.memory_space<hbm>>
    tpu.enqueue_indirect_dma source(%dma_start3A_7 : memref<100000x128xf32, #tpu.memory_space<hbm>>) target(%arg15 : memref<16x128xf32, #tpu.memory_space<vmem>>) offsets(%arg12 : memref<16xi32, #tpu.memory_space<vmem>>) semaphore(%arg17 : memref<!tpu.dma_semaphore, #tpu.memory_space<semaphore_mem>>)
    %dma_start3A_8 = arith.constant 0 : i32
    %dma_start3A_9 = arith.constant 0 : i32
    %dma_start3A_10 = tpu.memref_slice %arg4[%dma_start3A_8, %dma_start3A_9] : memref<2500x128xf32, #tpu.memory_space<hbm>> -> memref<2500x128xf32, #tpu.memory_space<hbm>>
    tpu.enqueue_indirect_dma source(%dma_start3A_10 : memref<2500x128xf32, #tpu.memory_space<hbm>>) target(%arg16 : memref<16x128xf32, #tpu.memory_space<vmem>>) offsets(%arg13 : memref<16xi32, #tpu.memory_space<vmem>>) semaphore(%arg17 : memref<!tpu.dma_semaphore, #tpu.memory_space<semaphore_mem>>)
    %dma_wait3A = arith.constant 0 : i32
    %dma_wait3A_11 = arith.constant 0 : i32
    %dma_wait3A_12 = tpu.memref_slice %arg2[%dma_wait3A, %dma_wait3A_11] : memref<200000x128xf32, #tpu.memory_space<hbm>> -> memref<200000x128xf32, #tpu.memory_space<hbm>>
    tpu.wait_indirect_dma semaphore(%arg17 : memref<!tpu.dma_semaphore, #tpu.memory_space<semaphore_mem>>) src(%dma_wait3A_12 : memref<200000x128xf32, #tpu.memory_space<hbm>>) dst(%arg14 : memref<16x128xf32, #tpu.memory_space<vmem>>)
    %dma_wait3A_13 = arith.constant 0 : i32
    %dma_wait3A_14 = arith.constant 0 : i32
    %dma_wait3A_15 = tpu.memref_slice %arg3[%dma_wait3A_13, %dma_wait3A_14] : memref<100000x128xf32, #tpu.memory_space<hbm>> -> memref<100000x128xf32, #tpu.memory_space<hbm>>
    tpu.wait_indirect_dma semaphore(%arg17 : memref<!tpu.dma_semaphore, #tpu.memory_space<semaphore_mem>>) src(%dma_wait3A_15 : memref<100000x128xf32, #tpu.memory_space<hbm>>) dst(%arg15 : memref<16x128xf32, #tpu.memory_space<vmem>>)
    %dma_wait3A_16 = arith.constant 0 : i32
    %dma_wait3A_17 = arith.constant 0 : i32
    %dma_wait3A_18 = tpu.memref_slice %arg4[%dma_wait3A_16, %dma_wait3A_17] : memref<2500x128xf32, #tpu.memory_space<hbm>> -> memref<2500x128xf32, #tpu.memory_space<hbm>>
    tpu.wait_indirect_dma semaphore(%arg17 : memref<!tpu.dma_semaphore, #tpu.memory_space<semaphore_mem>>) src(%dma_wait3A_18 : memref<2500x128xf32, #tpu.memory_space<hbm>>) dst(%arg16 : memref<16x128xf32, #tpu.memory_space<vmem>>)
    "tpu.region"() ({
      %run_scoped3A = tpu.sem_alloc : memref<!tpu.dma_semaphore, #tpu.memory_space<semaphore_mem>>
      %dma_start3A_19 = arith.constant 0 : i32
      %dma_start3A_20 = tpu.memref_slice %arg8[%mul3A_2, %dma_start3A_19] : memref<512x128xf32, #tpu.memory_space<hbm>> -> memref<16x128xf32, #tpu.memory_space<hbm>>
      %dma_start3A_21 = arith.constant 0 : i32
      %dma_start3A_22 = tpu.memref_slice %arg8[%mul3A_2, %dma_start3A_21] : memref<512x128xf32, #tpu.memory_space<hbm>> -> memref<16x128xf32, #tpu.memory_space<hbm>>
      tpu.enqueue_dma source(%arg14 : memref<16x128xf32, #tpu.memory_space<vmem>>) target(%dma_start3A_22 : memref<16x128xf32, #tpu.memory_space<hbm>>) target_semaphore(%run_scoped3A : memref<!tpu.dma_semaphore, #tpu.memory_space<semaphore_mem>>)
      %dma_wait3A_23 = arith.constant 0 : i32
      %dma_wait3A_24 = tpu.memref_slice %arg8[%mul3A_2, %dma_wait3A_23] : memref<512x128xf32, #tpu.memory_space<hbm>> -> memref<16x128xf32, #tpu.memory_space<hbm>>
      %dma_wait3A_25 = arith.constant 0 : i32
      %dma_wait3A_26 = tpu.memref_slice %arg8[%mul3A_2, %dma_wait3A_25] : memref<512x128xf32, #tpu.memory_space<hbm>> -> memref<16x128xf32, #tpu.memory_space<hbm>>
      tpu.wait_dma2 semaphore(%run_scoped3A : memref<!tpu.dma_semaphore, #tpu.memory_space<semaphore_mem>>) src(%arg14 : memref<16x128xf32, #tpu.memory_space<vmem>>) dst(%dma_wait3A_26 : memref<16x128xf32, #tpu.memory_space<hbm>>)
      tpu.yield
    }) : () -> ()
    "tpu.region"() ({
      %run_scoped3A = tpu.sem_alloc : memref<!tpu.dma_semaphore, #tpu.memory_space<semaphore_mem>>
      %dma_start3A_19 = arith.constant 0 : i32
      %dma_start3A_20 = tpu.memref_slice %arg9[%mul3A_2, %dma_start3A_19] : memref<512x128xf32, #tpu.memory_space<hbm>> -> memref<16x128xf32, #tpu.memory_space<hbm>>
      %dma_start3A_21 = arith.constant 0 : i32
      %dma_start3A_22 = tpu.memref_slice %arg9[%mul3A_2, %dma_start3A_21] : memref<512x128xf32, #tpu.memory_space<hbm>> -> memref<16x128xf32, #tpu.memory_space<hbm>>
      tpu.enqueue_dma source(%arg15 : memref<16x128xf32, #tpu.memory_space<vmem>>) target(%dma_start3A_22 : memref<16x128xf32, #tpu.memory_space<hbm>>) target_semaphore(%run_scoped3A : memref<!tpu.dma_semaphore, #tpu.memory_space<semaphore_mem>>)
      %dma_wait3A_23 = arith.constant 0 : i32
      %dma_wait3A_24 = tpu.memref_slice %arg9[%mul3A_2, %dma_wait3A_23] : memref<512x128xf32, #tpu.memory_space<hbm>> -> memref<16x128xf32, #tpu.memory_space<hbm>>
      %dma_wait3A_25 = arith.constant 0 : i32
      %dma_wait3A_26 = tpu.memref_slice %arg9[%mul3A_2, %dma_wait3A_25] : memref<512x128xf32, #tpu.memory_space<hbm>> -> memref<16x128xf32, #tpu.memory_space<hbm>>
      tpu.wait_dma2 semaphore(%run_scoped3A : memref<!tpu.dma_semaphore, #tpu.memory_space<semaphore_mem>>) src(%arg15 : memref<16x128xf32, #tpu.memory_space<vmem>>) dst(%dma_wait3A_26 : memref<16x128xf32, #tpu.memory_space<hbm>>)
      tpu.yield
    }) : () -> ()
    "tpu.region"() ({
      %run_scoped3A = tpu.sem_alloc : memref<!tpu.dma_semaphore, #tpu.memory_space<semaphore_mem>>
      %dma_start3A_19 = arith.constant 0 : i32
      %dma_start3A_20 = tpu.memref_slice %arg10[%mul3A_2, %dma_start3A_19] : memref<512x128xf32, #tpu.memory_space<hbm>> -> memref<16x128xf32, #tpu.memory_space<hbm>>
      %dma_start3A_21 = arith.constant 0 : i32
      %dma_start3A_22 = tpu.memref_slice %arg10[%mul3A_2, %dma_start3A_21] : memref<512x128xf32, #tpu.memory_space<hbm>> -> memref<16x128xf32, #tpu.memory_space<hbm>>
      tpu.enqueue_dma source(%arg16 : memref<16x128xf32, #tpu.memory_space<vmem>>) target(%dma_start3A_22 : memref<16x128xf32, #tpu.memory_space<hbm>>) target_semaphore(%run_scoped3A : memref<!tpu.dma_semaphore, #tpu.memory_space<semaphore_mem>>)
      %dma_wait3A_23 = arith.constant 0 : i32
      %dma_wait3A_24 = tpu.memref_slice %arg10[%mul3A_2, %dma_wait3A_23] : memref<512x128xf32, #tpu.memory_space<hbm>> -> memref<16x128xf32, #tpu.memory_space<hbm>>
      %dma_wait3A_25 = arith.constant 0 : i32
      %dma_wait3A_26 = tpu.memref_slice %arg10[%mul3A_2, %dma_wait3A_25] : memref<512x128xf32, #tpu.memory_space<hbm>> -> memref<16x128xf32, #tpu.memory_space<hbm>>
      tpu.wait_dma2 semaphore(%run_scoped3A : memref<!tpu.dma_semaphore, #tpu.memory_space<semaphore_mem>>) src(%arg16 : memref<16x128xf32, #tpu.memory_space<vmem>>) dst(%dma_wait3A_26 : memref<16x128xf32, #tpu.memory_space<hbm>>)
      tpu.yield
    }) : () -> ()
    return
  }
}

module attributes {stable_mosaic.version = 14 : i64} {
  func.func @_body(%arg0: memref<200000x128xf32, #tpu.memory_space<any>>, %arg1: memref<512x128xf32, #tpu.memory_space<vmem>>, %arg2: memref<512x128xf32, #tpu.memory_space<vmem>>, %arg3: memref<512x128xf32, #tpu.memory_space<vmem>>, %arg4: memref<128x1xi32, #tpu.memory_space<vmem>>, %arg5: memref<128x1xi32, #tpu.memory_space<vmem>>, %arg6: memref<128x1xi32, #tpu.memory_space<vmem>>, %arg7: memref<128x1xi32, #tpu.memory_space<vmem>>, %arg8: memref<128xi32, #tpu.memory_space<smem>>, %arg9: memref<128xi32, #tpu.memory_space<smem>>, %arg10: memref<128xi32, #tpu.memory_space<smem>>, %arg11: memref<128xi32, #tpu.memory_space<smem>>, %arg12: memref<128xi32, #tpu.memory_space<smem>>, %arg13: memref<128xi32, #tpu.memory_space<smem>>, %arg14: memref<128xi32, #tpu.memory_space<smem>>, %arg15: memref<128x256xf32, #tpu.memory_space<vmem>>, %arg16: memref<128x256xf32, #tpu.memory_space<vmem>>, %arg17: memref<128x256xf32, #tpu.memory_space<vmem>>, %arg18: memref<1x256xf32, #tpu.memory_space<vmem>>, %arg19: memref<1x128xf32, #tpu.memory_space<vmem>>, %arg20: memref<1x128xf32, #tpu.memory_space<vmem>>, %arg21: memref<1x128xf32, #tpu.memory_space<vmem>>, %arg22: memref<1x64xf32, #tpu.memory_space<vmem>>, %arg23: memref<1x128xf32, #tpu.memory_space<vmem>>, %arg24: memref<1x64xf32, #tpu.memory_space<vmem>>, %arg25: memref<128x192xf32, #tpu.memory_space<vmem>>, %arg26: memref<128x192xf32, #tpu.memory_space<vmem>>, %arg27: memref<64x192xf32, #tpu.memory_space<vmem>>, %arg28: memref<64x192xf32, #tpu.memory_space<vmem>>, %arg29: memref<64x192xf32, #tpu.memory_space<vmem>>, %arg30: memref<1x192xf32, #tpu.memory_space<vmem>>, %arg31: memref<128x1xf32, #tpu.memory_space<vmem>>, %arg32: memref<128x1xf32, #tpu.memory_space<vmem>>, %arg33: memref<200000x128xf32, #tpu.memory_space<any>>, %arg34: memref<1x1xf32, #tpu.memory_space<vmem>>, %arg35: memref<256x128xf32, #tpu.memory_space<vmem>>, %arg36: memref<384x128xf32, #tpu.memory_space<vmem>>, %arg37: memref<128x128xf32, #tpu.memory_space<vmem>>, %arg38: memref<128x128xf32, #tpu.memory_space<vmem>>, %arg39: memref<128x128xf32, #tpu.memory_space<vmem>>, %arg40: memref<128x128xf32, #tpu.memory_space<vmem>>, %arg41: memref<16x4000x128xf32, #tpu.memory_space<vmem>>, %arg42: memref<16x!tpu.dma_semaphore, #tpu.memory_space<semaphore_mem>>, %arg43: memref<16x!tpu.dma_semaphore, #tpu.memory_space<semaphore_mem>>, %arg44: memref<!tpu.dma_semaphore, #tpu.memory_space<semaphore_mem>>) attributes {dimension_semantics = [], scalar_prefetch = 0 : i64, scratch_operands = 10 : i64, tpu.core_type = #tpu.core_type<tc>} {
    %rem3A = arith.constant 0 : i32
    %rem3A_0 = arith.constant 16 : i32
    %rem3A_1 = arith.remsi %rem3A, %rem3A_0 : i32
    %rem3A_2 = arith.constant 0 : i32
    %rem3A_3 = arith.constant 16 : i32
    %rem3A_4 = arith.remsi %rem3A_2, %rem3A_3 : i32
    %dma_start3A = tpu.memref_slice %arg42[%rem3A_4] : memref<16x!tpu.dma_semaphore, #tpu.memory_space<semaphore_mem>> -> memref<1x!tpu.dma_semaphore, #tpu.memory_space<semaphore_mem>>
    %dma_start3A_5 = tpu.memref_squeeze %dma_start3A : memref<1x!tpu.dma_semaphore, #tpu.memory_space<semaphore_mem>> -> memref<!tpu.dma_semaphore, #tpu.memory_space<semaphore_mem>>
    %dma_start3A_6 = arith.constant 0 : i32
    %dma_start3A_7 = arith.constant 0 : i32
    %dma_start3A_8 = tpu.memref_slice %arg41[%rem3A_1, %dma_start3A_6, %dma_start3A_7] : memref<16x4000x128xf32, #tpu.memory_space<vmem>> -> memref<1x4000x128xf32, #tpu.memory_space<vmem>>
    %dma_start3A_9 = tpu.memref_squeeze %dma_start3A_8 : memref<1x4000x128xf32, #tpu.memory_space<vmem>> -> memref<4000x128xf32, #tpu.memory_space<vmem>>
    %dma_start3A_10 = arith.constant 0 : i32
    %dma_start3A_11 = arith.constant 0 : i32
    %dma_start3A_12 = tpu.memref_slice %arg0[%dma_start3A_10, %dma_start3A_11] : memref<200000x128xf32, #tpu.memory_space<any>> -> memref<4000x128xf32, #tpu.memory_space<any>>
    tpu.enqueue_dma source(%dma_start3A_12 : memref<4000x128xf32, #tpu.memory_space<any>>) target(%dma_start3A_9 : memref<4000x128xf32, #tpu.memory_space<vmem>>) target_semaphore(%dma_start3A_5 : memref<!tpu.dma_semaphore, #tpu.memory_space<semaphore_mem>>)
    %rem3A_13 = arith.constant 1 : i32
    %rem3A_14 = arith.constant 16 : i32
    %rem3A_15 = arith.remsi %rem3A_13, %rem3A_14 : i32
    %rem3A_16 = arith.constant 1 : i32
    %rem3A_17 = arith.constant 16 : i32
    %rem3A_18 = arith.remsi %rem3A_16, %rem3A_17 : i32
    %dma_start3A_19 = tpu.memref_slice %arg42[%rem3A_18] : memref<16x!tpu.dma_semaphore, #tpu.memory_space<semaphore_mem>> -> memref<1x!tpu.dma_semaphore, #tpu.memory_space<semaphore_mem>>
    %dma_start3A_20 = tpu.memref_squeeze %dma_start3A_19 : memref<1x!tpu.dma_semaphore, #tpu.memory_space<semaphore_mem>> -> memref<!tpu.dma_semaphore, #tpu.memory_space<semaphore_mem>>
    %dma_start3A_21 = arith.constant 0 : i32
    %dma_start3A_22 = arith.constant 0 : i32
    %dma_start3A_23 = tpu.memref_slice %arg41[%rem3A_15, %dma_start3A_21, %dma_start3A_22] : memref<16x4000x128xf32, #tpu.memory_space<vmem>> -> memref<1x4000x128xf32, #tpu.memory_space<vmem>>
    %dma_start3A_24 = tpu.memref_squeeze %dma_start3A_23 : memref<1x4000x128xf32, #tpu.memory_space<vmem>> -> memref<4000x128xf32, #tpu.memory_space<vmem>>
    %dma_start3A_25 = arith.constant 4000 : i32
    %dma_start3A_26 = arith.constant 0 : i32
    %dma_start3A_27 = tpu.memref_slice %arg0[%dma_start3A_25, %dma_start3A_26] : memref<200000x128xf32, #tpu.memory_space<any>> -> memref<4000x128xf32, #tpu.memory_space<any>>
    tpu.enqueue_dma source(%dma_start3A_27 : memref<4000x128xf32, #tpu.memory_space<any>>) target(%dma_start3A_24 : memref<4000x128xf32, #tpu.memory_space<vmem>>) target_semaphore(%dma_start3A_20 : memref<!tpu.dma_semaphore, #tpu.memory_space<semaphore_mem>>)
    %rem3A_28 = arith.constant 2 : i32
    %rem3A_29 = arith.constant 16 : i32
    %rem3A_30 = arith.remsi %rem3A_28, %rem3A_29 : i32
    %rem3A_31 = arith.constant 2 : i32
    %rem3A_32 = arith.constant 16 : i32
    %rem3A_33 = arith.remsi %rem3A_31, %rem3A_32 : i32
    %dma_start3A_34 = tpu.memref_slice %arg42[%rem3A_33] : memref<16x!tpu.dma_semaphore, #tpu.memory_space<semaphore_mem>> -> memref<1x!tpu.dma_semaphore, #tpu.memory_space<semaphore_mem>>
    %dma_start3A_35 = tpu.memref_squeeze %dma_start3A_34 : memref<1x!tpu.dma_semaphore, #tpu.memory_space<semaphore_mem>> -> memref<!tpu.dma_semaphore, #tpu.memory_space<semaphore_mem>>
    %dma_start3A_36 = arith.constant 0 : i32
    %dma_start3A_37 = arith.constant 0 : i32
    %dma_start3A_38 = tpu.memref_slice %arg41[%rem3A_30, %dma_start3A_36, %dma_start3A_37] : memref<16x4000x128xf32, #tpu.memory_space<vmem>> -> memref<1x4000x128xf32, #tpu.memory_space<vmem>>
    %dma_start3A_39 = tpu.memref_squeeze %dma_start3A_38 : memref<1x4000x128xf32, #tpu.memory_space<vmem>> -> memref<4000x128xf32, #tpu.memory_space<vmem>>
    %dma_start3A_40 = arith.constant 8000 : i32
    %dma_start3A_41 = arith.constant 0 : i32
    %dma_start3A_42 = tpu.memref_slice %arg0[%dma_start3A_40, %dma_start3A_41] : memref<200000x128xf32, #tpu.memory_space<any>> -> memref<4000x128xf32, #tpu.memory_space<any>>
    tpu.enqueue_dma source(%dma_start3A_42 : memref<4000x128xf32, #tpu.memory_space<any>>) target(%dma_start3A_39 : memref<4000x128xf32, #tpu.memory_space<vmem>>) target_semaphore(%dma_start3A_35 : memref<!tpu.dma_semaphore, #tpu.memory_space<semaphore_mem>>)
    %rem3A_43 = arith.constant 3 : i32
    %rem3A_44 = arith.constant 16 : i32
    %rem3A_45 = arith.remsi %rem3A_43, %rem3A_44 : i32
    %rem3A_46 = arith.constant 3 : i32
    %rem3A_47 = arith.constant 16 : i32
    %rem3A_48 = arith.remsi %rem3A_46, %rem3A_47 : i32
    %dma_start3A_49 = tpu.memref_slice %arg42[%rem3A_48] : memref<16x!tpu.dma_semaphore, #tpu.memory_space<semaphore_mem>> -> memref<1x!tpu.dma_semaphore, #tpu.memory_space<semaphore_mem>>
    %dma_start3A_50 = tpu.memref_squeeze %dma_start3A_49 : memref<1x!tpu.dma_semaphore, #tpu.memory_space<semaphore_mem>> -> memref<!tpu.dma_semaphore, #tpu.memory_space<semaphore_mem>>
    %dma_start3A_51 = arith.constant 0 : i32
    %dma_start3A_52 = arith.constant 0 : i32
    %dma_start3A_53 = tpu.memref_slice %arg41[%rem3A_45, %dma_start3A_51, %dma_start3A_52] : memref<16x4000x128xf32, #tpu.memory_space<vmem>> -> memref<1x4000x128xf32, #tpu.memory_space<vmem>>
    %dma_start3A_54 = tpu.memref_squeeze %dma_start3A_53 : memref<1x4000x128xf32, #tpu.memory_space<vmem>> -> memref<4000x128xf32, #tpu.memory_space<vmem>>
    %dma_start3A_55 = arith.constant 12000 : i32
    %dma_start3A_56 = arith.constant 0 : i32
    %dma_start3A_57 = tpu.memref_slice %arg0[%dma_start3A_55, %dma_start3A_56] : memref<200000x128xf32, #tpu.memory_space<any>> -> memref<4000x128xf32, #tpu.memory_space<any>>
    tpu.enqueue_dma source(%dma_start3A_57 : memref<4000x128xf32, #tpu.memory_space<any>>) target(%dma_start3A_54 : memref<4000x128xf32, #tpu.memory_space<vmem>>) target_semaphore(%dma_start3A_50 : memref<!tpu.dma_semaphore, #tpu.memory_space<semaphore_mem>>)
    %rem3A_58 = arith.constant 4 : i32
    %rem3A_59 = arith.constant 16 : i32
    %rem3A_60 = arith.remsi %rem3A_58, %rem3A_59 : i32
    %rem3A_61 = arith.constant 4 : i32
    %rem3A_62 = arith.constant 16 : i32
    %rem3A_63 = arith.remsi %rem3A_61, %rem3A_62 : i32
    %dma_start3A_64 = tpu.memref_slice %arg42[%rem3A_63] : memref<16x!tpu.dma_semaphore, #tpu.memory_space<semaphore_mem>> -> memref<1x!tpu.dma_semaphore, #tpu.memory_space<semaphore_mem>>
    %dma_start3A_65 = tpu.memref_squeeze %dma_start3A_64 : memref<1x!tpu.dma_semaphore, #tpu.memory_space<semaphore_mem>> -> memref<!tpu.dma_semaphore, #tpu.memory_space<semaphore_mem>>
    %dma_start3A_66 = arith.constant 0 : i32
    %dma_start3A_67 = arith.constant 0 : i32
    %dma_start3A_68 = tpu.memref_slice %arg41[%rem3A_60, %dma_start3A_66, %dma_start3A_67] : memref<16x4000x128xf32, #tpu.memory_space<vmem>> -> memref<1x4000x128xf32, #tpu.memory_space<vmem>>
    %dma_start3A_69 = tpu.memref_squeeze %dma_start3A_68 : memref<1x4000x128xf32, #tpu.memory_space<vmem>> -> memref<4000x128xf32, #tpu.memory_space<vmem>>
    %dma_start3A_70 = arith.constant 16000 : i32
    %dma_start3A_71 = arith.constant 0 : i32
    %dma_start3A_72 = tpu.memref_slice %arg0[%dma_start3A_70, %dma_start3A_71] : memref<200000x128xf32, #tpu.memory_space<any>> -> memref<4000x128xf32, #tpu.memory_space<any>>
    tpu.enqueue_dma source(%dma_start3A_72 : memref<4000x128xf32, #tpu.memory_space<any>>) target(%dma_start3A_69 : memref<4000x128xf32, #tpu.memory_space<vmem>>) target_semaphore(%dma_start3A_65 : memref<!tpu.dma_semaphore, #tpu.memory_space<semaphore_mem>>)
    %rem3A_73 = arith.constant 5 : i32
    %rem3A_74 = arith.constant 16 : i32
    %rem3A_75 = arith.remsi %rem3A_73, %rem3A_74 : i32
    %rem3A_76 = arith.constant 5 : i32
    %rem3A_77 = arith.constant 16 : i32
    %rem3A_78 = arith.remsi %rem3A_76, %rem3A_77 : i32
    %dma_start3A_79 = tpu.memref_slice %arg42[%rem3A_78] : memref<16x!tpu.dma_semaphore, #tpu.memory_space<semaphore_mem>> -> memref<1x!tpu.dma_semaphore, #tpu.memory_space<semaphore_mem>>
    %dma_start3A_80 = tpu.memref_squeeze %dma_start3A_79 : memref<1x!tpu.dma_semaphore, #tpu.memory_space<semaphore_mem>> -> memref<!tpu.dma_semaphore, #tpu.memory_space<semaphore_mem>>
    %dma_start3A_81 = arith.constant 0 : i32
    %dma_start3A_82 = arith.constant 0 : i32
    %dma_start3A_83 = tpu.memref_slice %arg41[%rem3A_75, %dma_start3A_81, %dma_start3A_82] : memref<16x4000x128xf32, #tpu.memory_space<vmem>> -> memref<1x4000x128xf32, #tpu.memory_space<vmem>>
    %dma_start3A_84 = tpu.memref_squeeze %dma_start3A_83 : memref<1x4000x128xf32, #tpu.memory_space<vmem>> -> memref<4000x128xf32, #tpu.memory_space<vmem>>
    %dma_start3A_85 = arith.constant 20000 : i32
    %dma_start3A_86 = arith.constant 0 : i32
    %dma_start3A_87 = tpu.memref_slice %arg0[%dma_start3A_85, %dma_start3A_86] : memref<200000x128xf32, #tpu.memory_space<any>> -> memref<4000x128xf32, #tpu.memory_space<any>>
    tpu.enqueue_dma source(%dma_start3A_87 : memref<4000x128xf32, #tpu.memory_space<any>>) target(%dma_start3A_84 : memref<4000x128xf32, #tpu.memory_space<vmem>>) target_semaphore(%dma_start3A_80 : memref<!tpu.dma_semaphore, #tpu.memory_space<semaphore_mem>>)
    %rem3A_88 = arith.constant 6 : i32
    %rem3A_89 = arith.constant 16 : i32
    %rem3A_90 = arith.remsi %rem3A_88, %rem3A_89 : i32
    %rem3A_91 = arith.constant 6 : i32
    %rem3A_92 = arith.constant 16 : i32
    %rem3A_93 = arith.remsi %rem3A_91, %rem3A_92 : i32
    %dma_start3A_94 = tpu.memref_slice %arg42[%rem3A_93] : memref<16x!tpu.dma_semaphore, #tpu.memory_space<semaphore_mem>> -> memref<1x!tpu.dma_semaphore, #tpu.memory_space<semaphore_mem>>
    %dma_start3A_95 = tpu.memref_squeeze %dma_start3A_94 : memref<1x!tpu.dma_semaphore, #tpu.memory_space<semaphore_mem>> -> memref<!tpu.dma_semaphore, #tpu.memory_space<semaphore_mem>>
    %dma_start3A_96 = arith.constant 0 : i32
    %dma_start3A_97 = arith.constant 0 : i32
    %dma_start3A_98 = tpu.memref_slice %arg41[%rem3A_90, %dma_start3A_96, %dma_start3A_97] : memref<16x4000x128xf32, #tpu.memory_space<vmem>> -> memref<1x4000x128xf32, #tpu.memory_space<vmem>>
    %dma_start3A_99 = tpu.memref_squeeze %dma_start3A_98 : memref<1x4000x128xf32, #tpu.memory_space<vmem>> -> memref<4000x128xf32, #tpu.memory_space<vmem>>
    %dma_start3A_100 = arith.constant 24000 : i32
    %dma_start3A_101 = arith.constant 0 : i32
    %dma_start3A_102 = tpu.memref_slice %arg0[%dma_start3A_100, %dma_start3A_101] : memref<200000x128xf32, #tpu.memory_space<any>> -> memref<4000x128xf32, #tpu.memory_space<any>>
    tpu.enqueue_dma source(%dma_start3A_102 : memref<4000x128xf32, #tpu.memory_space<any>>) target(%dma_start3A_99 : memref<4000x128xf32, #tpu.memory_space<vmem>>) target_semaphore(%dma_start3A_95 : memref<!tpu.dma_semaphore, #tpu.memory_space<semaphore_mem>>)
    %rem3A_103 = arith.constant 7 : i32
    %rem3A_104 = arith.constant 16 : i32
    %rem3A_105 = arith.remsi %rem3A_103, %rem3A_104 : i32
    %rem3A_106 = arith.constant 7 : i32
    %rem3A_107 = arith.constant 16 : i32
    %rem3A_108 = arith.remsi %rem3A_106, %rem3A_107 : i32
    %dma_start3A_109 = tpu.memref_slice %arg42[%rem3A_108] : memref<16x!tpu.dma_semaphore, #tpu.memory_space<semaphore_mem>> -> memref<1x!tpu.dma_semaphore, #tpu.memory_space<semaphore_mem>>
    %dma_start3A_110 = tpu.memref_squeeze %dma_start3A_109 : memref<1x!tpu.dma_semaphore, #tpu.memory_space<semaphore_mem>> -> memref<!tpu.dma_semaphore, #tpu.memory_space<semaphore_mem>>
    %dma_start3A_111 = arith.constant 0 : i32
    %dma_start3A_112 = arith.constant 0 : i32
    %dma_start3A_113 = tpu.memref_slice %arg41[%rem3A_105, %dma_start3A_111, %dma_start3A_112] : memref<16x4000x128xf32, #tpu.memory_space<vmem>> -> memref<1x4000x128xf32, #tpu.memory_space<vmem>>
    %dma_start3A_114 = tpu.memref_squeeze %dma_start3A_113 : memref<1x4000x128xf32, #tpu.memory_space<vmem>> -> memref<4000x128xf32, #tpu.memory_space<vmem>>
    %dma_start3A_115 = arith.constant 28000 : i32
    %dma_start3A_116 = arith.constant 0 : i32
    %dma_start3A_117 = tpu.memref_slice %arg0[%dma_start3A_115, %dma_start3A_116] : memref<200000x128xf32, #tpu.memory_space<any>> -> memref<4000x128xf32, #tpu.memory_space<any>>
    tpu.enqueue_dma source(%dma_start3A_117 : memref<4000x128xf32, #tpu.memory_space<any>>) target(%dma_start3A_114 : memref<4000x128xf32, #tpu.memory_space<vmem>>) target_semaphore(%dma_start3A_110 : memref<!tpu.dma_semaphore, #tpu.memory_space<semaphore_mem>>)
    %get3A = arith.constant 0 : index
    %get3A_118 = arith.constant 0 : index
    %get3A_119 = vector.load %arg1[%get3A, %get3A_118] : memref<512x128xf32, #tpu.memory_space<vmem>>, vector<128x128xf32>
    %swap3A = arith.constant 0 : index
    %swap3A_120 = arith.constant 0 : index
    %swap3A_121 = vector.load %arg35[%swap3A, %swap3A_120] : memref<256x128xf32, #tpu.memory_space<vmem>>, vector<128x128xf32>
    tpu.vector_store %arg35[%swap3A, %swap3A_120], %get3A_119 {strides = array<i32>} : memref<256x128xf32, #tpu.memory_space<vmem>>, vector<128x128xf32>,
    %get3A_122 = arith.constant 128 : index
    %get3A_123 = arith.constant 0 : index
    %get3A_124 = vector.load %arg1[%get3A_122, %get3A_123] : memref<512x128xf32, #tpu.memory_space<vmem>>, vector<128x128xf32>
    %swap3A_125 = arith.constant 0 : index
    %swap3A_126 = arith.constant 0 : index
    %swap3A_127 = vector.load %arg36[%swap3A_125, %swap3A_126] : memref<384x128xf32, #tpu.memory_space<vmem>>, vector<128x128xf32>
    tpu.vector_store %arg36[%swap3A_125, %swap3A_126], %get3A_124 {strides = array<i32>} : memref<384x128xf32, #tpu.memory_space<vmem>>, vector<128x128xf32>,
    %get3A_128 = arith.constant 256 : index
    %get3A_129 = arith.constant 0 : index
    %get3A_130 = vector.load %arg1[%get3A_128, %get3A_129] : memref<512x128xf32, #tpu.memory_space<vmem>>, vector<128x128xf32>
    %swap3A_131 = arith.constant 256 : index
    %swap3A_132 = arith.constant 0 : index
    %swap3A_133 = vector.load %arg36[%swap3A_131, %swap3A_132] : memref<384x128xf32, #tpu.memory_space<vmem>>, vector<128x128xf32>
    tpu.vector_store %arg36[%swap3A_131, %swap3A_132], %get3A_130 {strides = array<i32>} : memref<384x128xf32, #tpu.memory_space<vmem>>, vector<128x128xf32>,
    %get3A_134 = arith.constant 0 : index
    %get3A_135 = arith.constant 0 : index
    %get3A_136 = vector.load %arg7[%get3A_134, %get3A_135] : memref<128x1xi32, #tpu.memory_space<vmem>>, vector<128x1xi32>
    %gt3A = arith.constant 0 : i32
    %gt3A_137 = vector.broadcast %gt3A : i32 to vector<128x1xi32>
    %gt3A_138 = arith.cmpi sgt, %get3A_136, %gt3A_137 : vector<128x1xi32>
    %get3A_139 = arith.constant 0 : index
    %get3A_140 = arith.constant 64 : index
    %get3A_141 = vector.load %arg3[%get3A_139, %get3A_140] : memref<512x128xf32, #tpu.memory_space<vmem>>, vector<128x64xf32>
    %get3A_142 = arith.constant 0 : index
    %get3A_143 = arith.constant 0 : index
    %get3A_144 = vector.load %arg3[%get3A_142, %get3A_143] : memref<512x128xf32, #tpu.memory_space<vmem>>, vector<128x64xf32>
    %broadcast_in_dim3A = vector.shape_cast %gt3A_138 : vector<128x1xi1> to vector<128x1xi1>
    %broadcast_in_dim3A_145 = vector.broadcast %broadcast_in_dim3A : vector<128x1xi1> to vector<128x64xi1>
    %select_n3A = arith.select %broadcast_in_dim3A_145, %get3A_141, %get3A_144 : vector<128x64xi1>, vector<128x64xf32>
    %swap3A_146 = arith.constant 0 : index
    %swap3A_147 = arith.constant 0 : index
    %swap3A_148 = vector.load %arg37[%swap3A_146, %swap3A_147] : memref<128x128xf32, #tpu.memory_space<vmem>>, vector<128x64xf32>
    tpu.vector_store %arg37[%swap3A_146, %swap3A_147], %select_n3A {strides = array<i32>} : memref<128x128xf32, #tpu.memory_space<vmem>>, vector<128x64xf32>,
    %get3A_149 = arith.constant 0 : index
    %get3A_150 = arith.constant 0 : index
    %get3A_151 = vector.load %arg31[%get3A_149, %get3A_150] : memref<128x1xf32, #tpu.memory_space<vmem>>, vector<128x1xf32>
    %swap3A_152 = arith.constant 0 : index
    %swap3A_153 = arith.constant 64 : index
    %swap3A_154 = vector.load %arg37[%swap3A_152, %swap3A_153] : memref<128x128xf32, #tpu.memory_space<vmem>>, vector<128x1xf32>
    tpu.vector_store %arg37[%swap3A_152, %swap3A_153], %get3A_151 {strides = array<i32>} : memref<128x128xf32, #tpu.memory_space<vmem>>, vector<128x1xf32>,
    %get3A_155 = arith.constant 0 : index
    %get3A_156 = arith.constant 0 : index
    %get3A_157 = vector.load %arg32[%get3A_155, %get3A_156] : memref<128x1xf32, #tpu.memory_space<vmem>>, vector<128x1xf32>
    %swap3A_158 = arith.constant 0 : index
    %swap3A_159 = arith.constant 65 : index
    %swap3A_160 = vector.load %arg37[%swap3A_158, %swap3A_159] : memref<128x128xf32, #tpu.memory_space<vmem>>, vector<128x1xf32>
    tpu.vector_store %arg37[%swap3A_158, %swap3A_159], %get3A_157 {strides = array<i32>} : memref<128x128xf32, #tpu.memory_space<vmem>>, vector<128x1xf32>,
    %broadcast_in_dim3A_161 = arith.constant 0.000000e+00 : f32
    %broadcast_in_dim3A_162 = vector.broadcast %broadcast_in_dim3A_161 : f32 to vector<128x62xf32>
    %swap3A_163 = arith.constant 0 : index
    %swap3A_164 = arith.constant 66 : index
    %swap3A_165 = vector.load %arg37[%swap3A_163, %swap3A_164] : memref<128x128xf32, #tpu.memory_space<vmem>>, vector<128x62xf32>
    tpu.vector_store %arg37[%swap3A_163, %swap3A_164], %broadcast_in_dim3A_162 {strides = array<i32>} : memref<128x128xf32, #tpu.memory_space<vmem>>, vector<128x62xf32>,
    %scan3A = arith.constant 0 : i32
    %scan3A_166 = arith.constant 128 : i32
    %scan3A_167 = arith.addi %scan3A, %scan3A_166 : i32
    %scan3A_168 = arith.constant 1 : i32
    scf.for %scan3A_623 = %scan3A to %scan3A_167 step %scan3A_168  : i32 {
      %rem3A_624 = arith.constant 2 : i32
      %rem3A_625 = arith.remsi %scan3A_623, %rem3A_624 : i32
      %eq3A = arith.constant 0 : i32
      %eq3A_626 = arith.cmpi eq, %rem3A_625, %eq3A : i32
      %lt3A = arith.constant 100 : i32
      %lt3A_627 = arith.cmpi slt, %scan3A_623, %lt3A : i32
      %and3A = arith.andi %eq3A_626, %lt3A_627 : i1
      %convert_element_type3A = arith.extui %and3A : i1 to i32
      %cond3A = arith.constant 0 : i32
      %cond3A_628 = arith.cmpi ne, %convert_element_type3A, %cond3A : i32
      scf.if %cond3A_628 {
        %jit3A = arith.constant 2 : i32
        %div3A_707 = arith.divsi %scan3A_623, %jit3A : i32
        %sign3A = arith.constant 0 : i32
        %sign3A_708 = arith.cmpi sgt, %scan3A_623, %sign3A : i32
        %sign3A_709 = arith.extui %sign3A_708 : i1 to i32
        %sign3A_710 = arith.constant 0 : i32
        %sign3A_711 = arith.cmpi slt, %scan3A_623, %sign3A_710 : i32
        %sign3A_712 = arith.extui %sign3A_711 : i1 to i32
        %sign3A_713 = arith.subi %sign3A_709, %sign3A_712 : i32
        %sign3A_714 = arith.constant 0 : i32
        %sign3A_715 = arith.cmpi sgt, %jit3A, %sign3A_714 : i32
        %sign3A_716 = arith.extui %sign3A_715 : i1 to i32
        %sign3A_717 = arith.constant 0 : i32
        %sign3A_718 = arith.cmpi slt, %jit3A, %sign3A_717 : i32
        %sign3A_719 = arith.extui %sign3A_718 : i1 to i32
        %sign3A_720 = arith.subi %sign3A_716, %sign3A_719 : i32
        %ne3A = arith.cmpi ne, %sign3A_713, %sign3A_720 : i32
        %rem3A_721 = arith.remsi %scan3A_623, %jit3A : i32
        %ne3A_722 = arith.constant 0 : i32
        %ne3A_723 = arith.cmpi ne, %rem3A_721, %ne3A_722 : i32
        %and3A_724 = arith.andi %ne3A, %ne3A_723 : i1
        %sub3A_725 = arith.constant 1 : i32
        %sub3A_726 = arith.subi %div3A_707, %sub3A_725 : i32
        %select_n3A_727 = arith.select %and3A_724, %sub3A_726, %div3A_707 : i32
        %mul3A_728 = arith.constant 4000 : i32
        %mul3A_729 = arith.muli %select_n3A_727, %mul3A_728 : i32
        %rem3A_730 = arith.constant 16 : i32
        %rem3A_731 = arith.remsi %select_n3A_727, %rem3A_730 : i32
        %rem3A_732 = arith.constant 16 : i32
        %rem3A_733 = arith.remsi %select_n3A_727, %rem3A_732 : i32
        %dma_wait3A_734 = tpu.memref_slice %arg42[%rem3A_733] : memref<16x!tpu.dma_semaphore, #tpu.memory_space<semaphore_mem>> -> memref<1x!tpu.dma_semaphore, #tpu.memory_space<semaphore_mem>>
        %dma_wait3A_735 = tpu.memref_squeeze %dma_wait3A_734 : memref<1x!tpu.dma_semaphore, #tpu.memory_space<semaphore_mem>> -> memref<!tpu.dma_semaphore, #tpu.memory_space<semaphore_mem>>
        %dma_wait3A_736 = arith.constant 0 : i32
        %dma_wait3A_737 = arith.constant 0 : i32
        %dma_wait3A_738 = tpu.memref_slice %arg41[%rem3A_731, %dma_wait3A_736, %dma_wait3A_737] : memref<16x4000x128xf32, #tpu.memory_space<vmem>> -> memref<1x4000x128xf32, #tpu.memory_space<vmem>>
        %dma_wait3A_739 = tpu.memref_squeeze %dma_wait3A_738 : memref<1x4000x128xf32, #tpu.memory_space<vmem>> -> memref<4000x128xf32, #tpu.memory_space<vmem>>
        %dma_wait3A_740 = arith.constant 0 : i32
        %dma_wait3A_741 = tpu.memref_slice %arg0[%mul3A_729, %dma_wait3A_740] : memref<200000x128xf32, #tpu.memory_space<any>> -> memref<4000x128xf32, #tpu.memory_space<any>>
        tpu.wait_dma2 semaphore(%dma_wait3A_735 : memref<!tpu.dma_semaphore, #tpu.memory_space<semaphore_mem>>) src(%dma_wait3A_741 : memref<4000x128xf32, #tpu.memory_space<any>>) dst(%dma_wait3A_739 : memref<4000x128xf32, #tpu.memory_space<vmem>>)
        %rem3A_742 = arith.constant 16 : i32
        %rem3A_743 = arith.remsi %select_n3A_727, %rem3A_742 : i32
        %mul3A_744 = arith.constant 4000 : i32
        %mul3A_745 = arith.muli %select_n3A_727, %mul3A_744 : i32
        %rem3A_746 = arith.constant 16 : i32
        %rem3A_747 = arith.remsi %select_n3A_727, %rem3A_746 : i32
        %dma_start3A_748 = tpu.memref_slice %arg43[%rem3A_747] : memref<16x!tpu.dma_semaphore, #tpu.memory_space<semaphore_mem>> -> memref<1x!tpu.dma_semaphore, #tpu.memory_space<semaphore_mem>>
        %dma_start3A_749 = tpu.memref_squeeze %dma_start3A_748 : memref<1x!tpu.dma_semaphore, #tpu.memory_space<semaphore_mem>> -> memref<!tpu.dma_semaphore, #tpu.memory_space<semaphore_mem>>
        %dma_start3A_750 = arith.constant 0 : i32
        %dma_start3A_751 = tpu.memref_slice %arg33[%mul3A_745, %dma_start3A_750] : memref<200000x128xf32, #tpu.memory_space<any>> -> memref<4000x128xf32, #tpu.memory_space<any>>
        %dma_start3A_752 = arith.constant 0 : i32
        %dma_start3A_753 = arith.constant 0 : i32
        %dma_start3A_754 = tpu.memref_slice %arg41[%rem3A_743, %dma_start3A_752, %dma_start3A_753] : memref<16x4000x128xf32, #tpu.memory_space<vmem>> -> memref<1x4000x128xf32, #tpu.memory_space<vmem>>
        %dma_start3A_755 = tpu.memref_squeeze %dma_start3A_754 : memref<1x4000x128xf32, #tpu.memory_space<vmem>> -> memref<4000x128xf32, #tpu.memory_space<vmem>>
        tpu.enqueue_dma source(%dma_start3A_755 : memref<4000x128xf32, #tpu.memory_space<vmem>>) target(%dma_start3A_751 : memref<4000x128xf32, #tpu.memory_space<any>>) target_semaphore(%dma_start3A_749 : memref<!tpu.dma_semaphore, #tpu.memory_space<semaphore_mem>>)
        %add3A_756 = arith.constant 8 : i32
        %add3A_757 = arith.addi %select_n3A_727, %add3A_756 : i32
        %lt3A_758 = arith.constant 50 : i32
        %lt3A_759 = arith.cmpi slt, %add3A_757, %lt3A_758 : i32
        %convert_element_type3A_760 = arith.extui %lt3A_759 : i1 to i32
        %cond3A_761 = arith.constant 0 : i32
        %cond3A_762 = arith.cmpi ne, %convert_element_type3A_760, %cond3A_761 : i32
        scf.if %cond3A_762 {
          %ge3A = arith.constant 16 : i32
          %ge3A_763 = arith.cmpi sge, %add3A_757, %ge3A : i32
          %convert_element_type3A_764 = arith.extui %ge3A_763 : i1 to i32
          %cond3A_765 = arith.constant 0 : i32
          %cond3A_766 = arith.cmpi ne, %convert_element_type3A_764, %cond3A_765 : i32
          scf.if %cond3A_766 {
            %sub3A_781 = arith.constant 16 : i32
            %sub3A_782 = arith.subi %add3A_757, %sub3A_781 : i32
            %max3A_783 = arith.constant 0 : i32
            %max3A_784 = arith.maxsi %sub3A_782, %max3A_783 : i32
            %rem3A_785 = arith.constant 16 : i32
            %rem3A_786 = arith.remsi %max3A_784, %rem3A_785 : i32
            %mul3A_787 = arith.constant 4000 : i32
            %mul3A_788 = arith.muli %max3A_784, %mul3A_787 : i32
            %rem3A_789 = arith.constant 16 : i32
            %rem3A_790 = arith.remsi %max3A_784, %rem3A_789 : i32
            %dma_wait3A_791 = tpu.memref_slice %arg43[%rem3A_790] : memref<16x!tpu.dma_semaphore, #tpu.memory_space<semaphore_mem>> -> memref<1x!tpu.dma_semaphore, #tpu.memory_space<semaphore_mem>>
            %dma_wait3A_792 = tpu.memref_squeeze %dma_wait3A_791 : memref<1x!tpu.dma_semaphore, #tpu.memory_space<semaphore_mem>> -> memref<!tpu.dma_semaphore, #tpu.memory_space<semaphore_mem>>
            %dma_wait3A_793 = arith.constant 0 : i32
            %dma_wait3A_794 = tpu.memref_slice %arg33[%mul3A_788, %dma_wait3A_793] : memref<200000x128xf32, #tpu.memory_space<any>> -> memref<4000x128xf32, #tpu.memory_space<any>>
            %dma_wait3A_795 = arith.constant 0 : i32
            %dma_wait3A_796 = arith.constant 0 : i32
            %dma_wait3A_797 = tpu.memref_slice %arg41[%rem3A_786, %dma_wait3A_795, %dma_wait3A_796] : memref<16x4000x128xf32, #tpu.memory_space<vmem>> -> memref<1x4000x128xf32, #tpu.memory_space<vmem>>
            %dma_wait3A_798 = tpu.memref_squeeze %dma_wait3A_797 : memref<1x4000x128xf32, #tpu.memory_space<vmem>> -> memref<4000x128xf32, #tpu.memory_space<vmem>>
            tpu.wait_dma2 semaphore(%dma_wait3A_792 : memref<!tpu.dma_semaphore, #tpu.memory_space<semaphore_mem>>) src(%dma_wait3A_798 : memref<4000x128xf32, #tpu.memory_space<vmem>>) dst(%dma_wait3A_794 : memref<4000x128xf32, #tpu.memory_space<any>>)
          } else {
          }
          %mul3A_767 = arith.constant 4000 : i32
          %mul3A_768 = arith.muli %add3A_757, %mul3A_767 : i32
          %rem3A_769 = arith.constant 16 : i32
          %rem3A_770 = arith.remsi %add3A_757, %rem3A_769 : i32
          %rem3A_771 = arith.constant 16 : i32
          %rem3A_772 = arith.remsi %add3A_757, %rem3A_771 : i32
          %dma_start3A_773 = tpu.memref_slice %arg42[%rem3A_772] : memref<16x!tpu.dma_semaphore, #tpu.memory_space<semaphore_mem>> -> memref<1x!tpu.dma_semaphore, #tpu.memory_space<semaphore_mem>>
          %dma_start3A_774 = tpu.memref_squeeze %dma_start3A_773 : memref<1x!tpu.dma_semaphore, #tpu.memory_space<semaphore_mem>> -> memref<!tpu.dma_semaphore, #tpu.memory_space<semaphore_mem>>
          %dma_start3A_775 = arith.constant 0 : i32
          %dma_start3A_776 = arith.constant 0 : i32
          %dma_start3A_777 = tpu.memref_slice %arg41[%rem3A_770, %dma_start3A_775, %dma_start3A_776] : memref<16x4000x128xf32, #tpu.memory_space<vmem>> -> memref<1x4000x128xf32, #tpu.memory_space<vmem>>
          %dma_start3A_778 = tpu.memref_squeeze %dma_start3A_777 : memref<1x4000x128xf32, #tpu.memory_space<vmem>> -> memref<4000x128xf32, #tpu.memory_space<vmem>>
          %dma_start3A_779 = arith.constant 0 : i32
          %dma_start3A_780 = tpu.memref_slice %arg0[%mul3A_768, %dma_start3A_779] : memref<200000x128xf32, #tpu.memory_space<any>> -> memref<4000x128xf32, #tpu.memory_space<any>>
          tpu.enqueue_dma source(%dma_start3A_780 : memref<4000x128xf32, #tpu.memory_space<any>>) target(%dma_start3A_778 : memref<4000x128xf32, #tpu.memory_space<vmem>>) target_semaphore(%dma_start3A_774 : memref<!tpu.dma_semaphore, #tpu.memory_space<semaphore_mem>>)
        } else {
        }
      } else {
      }
      %get3A_629 = arith.index_cast %scan3A_623 : i32 to index
      %get3A_630 = memref.load %arg10[%get3A_629] : memref<128xi32, #tpu.memory_space<smem>>
      %get3A_631 = arith.index_cast %get3A_630 : i32 to index
      %get3A_632 = arith.constant 0 : index
      %get3A_633 = vector.load %arg35[%get3A_631, %get3A_632] : memref<256x128xf32, #tpu.memory_space<vmem>>, vector<1x128xf32>
      %get3A_634 = arith.index_cast %scan3A_623 : i32 to index
      %get3A_635 = memref.load %arg11[%get3A_634] : memref<128xi32, #tpu.memory_space<smem>>
      %get3A_636 = arith.index_cast %get3A_635 : i32 to index
      %get3A_637 = arith.constant 0 : index
      %get3A_638 = vector.load %arg36[%get3A_636, %get3A_637] : memref<384x128xf32, #tpu.memory_space<vmem>>, vector<1x128xf32>
      %get3A_639 = arith.index_cast %scan3A_623 : i32 to index
      %get3A_640 = memref.load %arg12[%get3A_639] : memref<128xi32, #tpu.memory_space<smem>>
      %get3A_641 = arith.index_cast %get3A_640 : i32 to index
      %get3A_642 = arith.constant 0 : index
      %get3A_643 = vector.load %arg36[%get3A_641, %get3A_642] : memref<384x128xf32, #tpu.memory_space<vmem>>, vector<1x128xf32>
      %swap3A_644 = arith.index_cast %scan3A_623 : i32 to index
      %swap3A_645 = arith.constant 0 : index
      %swap3A_646 = vector.load %arg38[%swap3A_644, %swap3A_645] : memref<128x128xf32, #tpu.memory_space<vmem>>, vector<1x128xf32>
      tpu.vector_store %arg38[%swap3A_644, %swap3A_645], %get3A_633 {strides = array<i32>} : memref<128x128xf32, #tpu.memory_space<vmem>>, vector<1x128xf32>,
      %swap3A_647 = arith.index_cast %scan3A_623 : i32 to index
      %swap3A_648 = arith.constant 0 : index
      %swap3A_649 = vector.load %arg39[%swap3A_647, %swap3A_648] : memref<128x128xf32, #tpu.memory_space<vmem>>, vector<1x128xf32>
      tpu.vector_store %arg39[%swap3A_647, %swap3A_648], %get3A_638 {strides = array<i32>} : memref<128x128xf32, #tpu.memory_space<vmem>>, vector<1x128xf32>,
      %swap3A_650 = arith.index_cast %scan3A_623 : i32 to index
      %swap3A_651 = arith.constant 0 : index
      %swap3A_652 = vector.load %arg40[%swap3A_650, %swap3A_651] : memref<128x128xf32, #tpu.memory_space<vmem>>, vector<1x128xf32>
      tpu.vector_store %arg40[%swap3A_650, %swap3A_651], %get3A_643 {strides = array<i32>} : memref<128x128xf32, #tpu.memory_space<vmem>>, vector<1x128xf32>,
      %get3A_653 = arith.index_cast %scan3A_623 : i32 to index
      %get3A_654 = arith.constant 0 : index
      %get3A_655 = vector.load %arg37[%get3A_653, %get3A_654] : memref<128x128xf32, #tpu.memory_space<vmem>>, vector<1x128xf32>
      %get3A_656 = arith.constant 0 : index
      %get3A_657 = arith.constant 0 : index
      %get3A_658 = vector.load %arg15[%get3A_656, %get3A_657] : memref<128x256xf32, #tpu.memory_space<vmem>>, vector<128x256xf32>
      %dot_general3A_659 = arith.constant dense<0.000000e+00> : vector<1x256xf32>
      %dot_general3A_660 = tpu.matmul %get3A_633, %get3A_658, %dot_general3A_659 {dimension_numbers = #tpu.dot_dimension_numbers<[1], [0], [0], [1], [0, 0, 1, 1], [], []>, transpose_lhs_hint = false} : vector<1x128xf32>, vector<128x256xf32>, vector<1x256xf32> -> vector<1x256xf32>
      %get3A_661 = arith.constant 0 : index
      %get3A_662 = arith.constant 0 : index
      %get3A_663 = vector.load %arg16[%get3A_661, %get3A_662] : memref<128x256xf32, #tpu.memory_space<vmem>>, vector<128x256xf32>
      %dot_general3A_664 = arith.constant dense<0.000000e+00> : vector<1x256xf32>
      %dot_general3A_665 = tpu.matmul %get3A_638, %get3A_663, %dot_general3A_664 {dimension_numbers = #tpu.dot_dimension_numbers<[1], [0], [0], [1], [0, 0, 1, 1], [], []>, transpose_lhs_hint = false} : vector<1x128xf32>, vector<128x256xf32>, vector<1x256xf32> -> vector<1x256xf32>
      %add3A_666 = arith.addf %dot_general3A_660, %dot_general3A_665 : vector<1x256xf32>
      %get3A_667 = arith.constant 0 : index
      %get3A_668 = arith.constant 0 : index
      %get3A_669 = vector.load %arg17[%get3A_667, %get3A_668] : memref<128x256xf32, #tpu.memory_space<vmem>>, vector<128x256xf32>
      %dot_general3A_670 = arith.constant dense<0.000000e+00> : vector<1x256xf32>
      %dot_general3A_671 = tpu.matmul %get3A_655, %get3A_669, %dot_general3A_670 {dimension_numbers = #tpu.dot_dimension_numbers<[1], [0], [0], [1], [0, 0, 1, 1], [], []>, transpose_lhs_hint = false} : vector<1x128xf32>, vector<128x256xf32>, vector<1x256xf32> -> vector<1x256xf32>
      %add3A_672 = arith.addf %add3A_666, %dot_general3A_671 : vector<1x256xf32>
      %get3A_673 = arith.constant 0 : index
      %get3A_674 = arith.constant 0 : index
      %get3A_675 = vector.load %arg18[%get3A_673, %get3A_674] : memref<1x256xf32, #tpu.memory_space<vmem>>, vector<1x256xf32>
      %add3A_676 = arith.addf %add3A_672, %get3A_675 : vector<1x256xf32>
      %tanh3A = math.tanh %add3A_676 : vector<1x256xf32>
      %slice3A_677 = vector.extract_strided_slice %tanh3A {offsets = [0, 0], sizes = [1, 128], strides = [1, 1]} : vector<1x256xf32> to vector<1x128xf32>
      %slice3A_678 = vector.extract_strided_slice %tanh3A {offsets = [0, 128], sizes = [1, 128], strides = [1, 1]} : vector<1x256xf32> to vector<1x128xf32>
      %mul3A_679 = arith.mulf %slice3A_677, %slice3A_677 : vector<1x128xf32>
      %reduce_sum3A_680 = arith.constant dense<0.000000e+00> : vector<1xf32>
      %reduce_sum3A_681 = vector.multi_reduction <add>, %mul3A_679, %reduce_sum3A_680 [1] : vector<1x128xf32> to vector<1xf32>
      %broadcast_in_dim3A_682 = vector.shape_cast %reduce_sum3A_681 : vector<1xf32> to vector<1x1xf32>
      %sqrt3A = math.sqrt %broadcast_in_dim3A_682 : vector<1x1xf32>
      %max3A = arith.constant 9.99999996E-13 : f32
      %max3A_683 = vector.broadcast %max3A : f32 to vector<1x1xf32>
      %max3A_684 = arith.maximumf %sqrt3A, %max3A_683 : vector<1x1xf32>
      %div3A_685 = vector.broadcast %max3A_684 : vector<1x1xf32> to vector<1x128xf32>
      %div3A_686 = arith.divf %slice3A_677, %div3A_685 : vector<1x128xf32>
      %mul3A_687 = arith.mulf %slice3A_678, %slice3A_678 : vector<1x128xf32>
      %reduce_sum3A_688 = arith.constant dense<0.000000e+00> : vector<1xf32>
      %reduce_sum3A_689 = vector.multi_reduction <add>, %mul3A_687, %reduce_sum3A_688 [1] : vector<1x128xf32> to vector<1xf32>
      %broadcast_in_dim3A_690 = vector.shape_cast %reduce_sum3A_689 : vector<1xf32> to vector<1x1xf32>
      %sqrt3A_691 = math.sqrt %broadcast_in_dim3A_690 : vector<1x1xf32>
      %max3A_692 = arith.constant 9.99999996E-13 : f32
      %max3A_693 = vector.broadcast %max3A_692 : f32 to vector<1x1xf32>
      %max3A_694 = arith.maximumf %sqrt3A_691, %max3A_693 : vector<1x1xf32>
      %div3A_695 = vector.broadcast %max3A_694 : vector<1x1xf32> to vector<1x128xf32>
      %div3A_696 = arith.divf %slice3A_678, %div3A_695 : vector<1x128xf32>
      %add3A_697 = arith.constant 128 : i32
      %add3A_698 = arith.addi %add3A_697, %scan3A_623 : i32
      %swap3A_699 = arith.index_cast %add3A_698 : i32 to index
      %swap3A_700 = arith.constant 0 : index
      %swap3A_701 = vector.load %arg35[%swap3A_699, %swap3A_700] : memref<256x128xf32, #tpu.memory_space<vmem>>, vector<1x128xf32>
      tpu.vector_store %arg35[%swap3A_699, %swap3A_700], %div3A_686 {strides = array<i32>} : memref<256x128xf32, #tpu.memory_space<vmem>>, vector<1x128xf32>,
      %add3A_702 = arith.constant 128 : i32
      %add3A_703 = arith.addi %add3A_702, %scan3A_623 : i32
      %swap3A_704 = arith.index_cast %add3A_703 : i32 to index
      %swap3A_705 = arith.constant 0 : index
      %swap3A_706 = vector.load %arg36[%swap3A_704, %swap3A_705] : memref<384x128xf32, #tpu.memory_space<vmem>>, vector<1x128xf32>
      tpu.vector_store %arg36[%swap3A_704, %swap3A_705], %div3A_696 {strides = array<i32>} : memref<384x128xf32, #tpu.memory_space<vmem>>, vector<1x128xf32>,
    }
    %scan3A_169 = arith.constant 128 : i32
    %get3A_170 = arith.constant 0 : index
    %get3A_171 = arith.constant 0 : index
    %get3A_172 = vector.load %arg38[%get3A_170, %get3A_171] : memref<128x128xf32, #tpu.memory_space<vmem>>, vector<128x128xf32>
    %get3A_173 = arith.constant 0 : index
    %get3A_174 = arith.constant 0 : index
    %get3A_175 = vector.load %arg39[%get3A_173, %get3A_174] : memref<128x128xf32, #tpu.memory_space<vmem>>, vector<128x128xf32>
    %get3A_176 = arith.constant 0 : index
    %get3A_177 = arith.constant 0 : index
    %get3A_178 = vector.load %arg40[%get3A_176, %get3A_177] : memref<128x128xf32, #tpu.memory_space<vmem>>, vector<128x128xf32>
    %get3A_179 = arith.constant 0 : index
    %get3A_180 = arith.constant 0 : index
    %get3A_181 = vector.load %arg37[%get3A_179, %get3A_180] : memref<128x128xf32, #tpu.memory_space<vmem>>, vector<128x64xf32>
    %get3A_182 = arith.constant 0 : index
    %get3A_183 = arith.constant 0 : index
    %get3A_184 = vector.load %arg4[%get3A_182, %get3A_183] : memref<128x1xi32, #tpu.memory_space<vmem>>, vector<128x1xi32>
    %gt3A_185 = arith.constant 0 : i32
    %gt3A_186 = vector.broadcast %gt3A_185 : i32 to vector<128x1xi32>
    %gt3A_187 = arith.cmpi sgt, %get3A_184, %gt3A_186 : vector<128x1xi32>
    %get3A_188 = arith.constant 0 : index
    %get3A_189 = arith.constant 64 : index
    %get3A_190 = vector.load %arg2[%get3A_188, %get3A_189] : memref<512x128xf32, #tpu.memory_space<vmem>>, vector<128x64xf32>
    %get3A_191 = arith.constant 0 : index
    %get3A_192 = arith.constant 0 : index
    %get3A_193 = vector.load %arg2[%get3A_191, %get3A_192] : memref<512x128xf32, #tpu.memory_space<vmem>>, vector<128x64xf32>
    %broadcast_in_dim3A_194 = vector.shape_cast %gt3A_187 : vector<128x1xi1> to vector<128x1xi1>
    %broadcast_in_dim3A_195 = vector.broadcast %broadcast_in_dim3A_194 : vector<128x1xi1> to vector<128x64xi1>
    %select_n3A_196 = arith.select %broadcast_in_dim3A_195, %get3A_190, %get3A_193 : vector<128x64xi1>, vector<128x64xf32>
    %get3A_197 = arith.constant 0 : index
    %get3A_198 = arith.constant 0 : index
    %get3A_199 = vector.load %arg5[%get3A_197, %get3A_198] : memref<128x1xi32, #tpu.memory_space<vmem>>, vector<128x1xi32>
    %gt3A_200 = arith.constant 0 : i32
    %gt3A_201 = vector.broadcast %gt3A_200 : i32 to vector<128x1xi32>
    %gt3A_202 = arith.cmpi sgt, %get3A_199, %gt3A_201 : vector<128x1xi32>
    %get3A_203 = arith.constant 128 : index
    %get3A_204 = arith.constant 64 : index
    %get3A_205 = vector.load %arg2[%get3A_203, %get3A_204] : memref<512x128xf32, #tpu.memory_space<vmem>>, vector<128x64xf32>
    %get3A_206 = arith.constant 128 : index
    %get3A_207 = arith.constant 0 : index
    %get3A_208 = vector.load %arg2[%get3A_206, %get3A_207] : memref<512x128xf32, #tpu.memory_space<vmem>>, vector<128x64xf32>
    %broadcast_in_dim3A_209 = vector.shape_cast %gt3A_202 : vector<128x1xi1> to vector<128x1xi1>
    %broadcast_in_dim3A_210 = vector.broadcast %broadcast_in_dim3A_209 : vector<128x1xi1> to vector<128x64xi1>
    %select_n3A_211 = arith.select %broadcast_in_dim3A_210, %get3A_205, %get3A_208 : vector<128x64xi1>, vector<128x64xf32>
    %get3A_212 = arith.constant 0 : index
    %get3A_213 = arith.constant 0 : index
    %get3A_214 = vector.load %arg6[%get3A_212, %get3A_213] : memref<128x1xi32, #tpu.memory_space<vmem>>, vector<128x1xi32>
    %gt3A_215 = arith.constant 0 : i32
    %gt3A_216 = vector.broadcast %gt3A_215 : i32 to vector<128x1xi32>
    %gt3A_217 = arith.cmpi sgt, %get3A_214, %gt3A_216 : vector<128x1xi32>
    %get3A_218 = arith.constant 256 : index
    %get3A_219 = arith.constant 64 : index
    %get3A_220 = vector.load %arg2[%get3A_218, %get3A_219] : memref<512x128xf32, #tpu.memory_space<vmem>>, vector<128x64xf32>
    %get3A_221 = arith.constant 256 : index
    %get3A_222 = arith.constant 0 : index
    %get3A_223 = vector.load %arg2[%get3A_221, %get3A_222] : memref<512x128xf32, #tpu.memory_space<vmem>>, vector<128x64xf32>
    %broadcast_in_dim3A_224 = vector.shape_cast %gt3A_217 : vector<128x1xi1> to vector<128x1xi1>
    %broadcast_in_dim3A_225 = vector.broadcast %broadcast_in_dim3A_224 : vector<128x1xi1> to vector<128x64xi1>
    %select_n3A_226 = arith.select %broadcast_in_dim3A_225, %get3A_220, %get3A_223 : vector<128x64xi1>, vector<128x64xf32>
    %get3A_227 = arith.constant 0 : index
    %get3A_228 = arith.constant 0 : index
    %get3A_229 = vector.load %arg31[%get3A_227, %get3A_228] : memref<128x1xf32, #tpu.memory_space<vmem>>, vector<128x1xf32>
    %get3A_230 = arith.constant 0 : index
    %get3A_231 = arith.constant 0 : index
    %get3A_232 = vector.load %arg19[%get3A_230, %get3A_231] : memref<1x128xf32, #tpu.memory_space<vmem>>, vector<1x128xf32>
    %mul3A = vector.broadcast %get3A_229 : vector<128x1xf32> to vector<128x128xf32>
    %mul3A_233 = vector.broadcast %get3A_232 : vector<1x128xf32> to vector<128x128xf32>
    %mul3A_234 = arith.mulf %mul3A, %mul3A_233 : vector<128x128xf32>
    %add3A = arith.constant 1.000000e+00 : f32
    %add3A_235 = vector.broadcast %add3A : f32 to vector<128x128xf32>
    %add3A_236 = arith.addf %add3A_235, %mul3A_234 : vector<128x128xf32>
    %get3A_237 = arith.constant 0 : index
    %get3A_238 = arith.constant 0 : index
    %get3A_239 = vector.load %arg20[%get3A_237, %get3A_238] : memref<1x128xf32, #tpu.memory_space<vmem>>, vector<1x128xf32>
    %add3A_240 = vector.broadcast %get3A_239 : vector<1x128xf32> to vector<128x128xf32>
    %add3A_241 = arith.addf %add3A_236, %add3A_240 : vector<128x128xf32>
    %mul3A_242 = arith.mulf %get3A_172, %add3A_241 : vector<128x128xf32>
    %reduce_sum3A = arith.constant dense<0.000000e+00> : vector<128xf32>
    %reduce_sum3A_243 = vector.multi_reduction <add>, %get3A_178, %reduce_sum3A [1] : vector<128x128xf32> to vector<128xf32>
    %broadcast_in_dim3A_244 = vector.shape_cast %reduce_sum3A_243 : vector<128xf32> to vector<128x1xf32>
    %reduce_sum3A_245 = arith.constant dense<0.000000e+00> : vector<128xf32>
    %reduce_sum3A_246 = vector.multi_reduction <add>, %get3A_181, %reduce_sum3A_245 [1] : vector<128x64xf32> to vector<128xf32>
    %broadcast_in_dim3A_247 = vector.shape_cast %reduce_sum3A_246 : vector<128xf32> to vector<128x1xf32>
    %add3A_248 = arith.addf %broadcast_in_dim3A_244, %broadcast_in_dim3A_247 : vector<128x1xf32>
    %div3A = arith.constant 1.920000e+02 : f32
    %div3A_249 = vector.broadcast %div3A : f32 to vector<128x1xf32>
    %div3A_250 = arith.divf %add3A_248, %div3A_249 : vector<128x1xf32>
    %sub3A = vector.broadcast %div3A_250 : vector<128x1xf32> to vector<128x128xf32>
    %sub3A_251 = arith.subf %get3A_178, %sub3A : vector<128x128xf32>
    %integer_pow3A = arith.mulf %sub3A_251, %sub3A_251 : vector<128x128xf32>
    %reduce_sum3A_252 = arith.constant dense<0.000000e+00> : vector<128xf32>
    %reduce_sum3A_253 = vector.multi_reduction <add>, %integer_pow3A, %reduce_sum3A_252 [1] : vector<128x128xf32> to vector<128xf32>
    %broadcast_in_dim3A_254 = vector.shape_cast %reduce_sum3A_253 : vector<128xf32> to vector<128x1xf32>
    %sub3A_255 = vector.broadcast %div3A_250 : vector<128x1xf32> to vector<128x64xf32>
    %sub3A_256 = arith.subf %get3A_181, %sub3A_255 : vector<128x64xf32>
    %integer_pow3A_257 = arith.mulf %sub3A_256, %sub3A_256 : vector<128x64xf32>
    %reduce_sum3A_258 = arith.constant dense<0.000000e+00> : vector<128xf32>
    %reduce_sum3A_259 = vector.multi_reduction <add>, %integer_pow3A_257, %reduce_sum3A_258 [1] : vector<128x64xf32> to vector<128xf32>
    %broadcast_in_dim3A_260 = vector.shape_cast %reduce_sum3A_259 : vector<128xf32> to vector<128x1xf32>
    %add3A_261 = arith.addf %broadcast_in_dim3A_254, %broadcast_in_dim3A_260 : vector<128x1xf32>
    %div3A_262 = arith.constant 1.920000e+02 : f32
    %div3A_263 = vector.broadcast %div3A_262 : f32 to vector<128x1xf32>
    %div3A_264 = arith.divf %add3A_261, %div3A_263 : vector<128x1xf32>
    %add3A_265 = arith.constant 9.99999974E-6 : f32
    %add3A_266 = vector.broadcast %add3A_265 : f32 to vector<128x1xf32>
    %add3A_267 = arith.addf %div3A_264, %add3A_266 : vector<128x1xf32>
    %rsqrt3A = math.rsqrt %add3A_267 : vector<128x1xf32>
    %sub3A_268 = vector.broadcast %div3A_250 : vector<128x1xf32> to vector<128x128xf32>
    %sub3A_269 = arith.subf %get3A_178, %sub3A_268 : vector<128x128xf32>
    %mul3A_270 = vector.broadcast %rsqrt3A : vector<128x1xf32> to vector<128x128xf32>
    %mul3A_271 = arith.mulf %sub3A_269, %mul3A_270 : vector<128x128xf32>
    %get3A_272 = arith.constant 0 : index
    %get3A_273 = arith.constant 0 : index
    %get3A_274 = vector.load %arg21[%get3A_272, %get3A_273] : memref<1x128xf32, #tpu.memory_space<vmem>>, vector<1x128xf32>
    %mul3A_275 = vector.broadcast %get3A_274 : vector<1x128xf32> to vector<128x128xf32>
    %mul3A_276 = arith.mulf %mul3A_271, %mul3A_275 : vector<128x128xf32>
    %get3A_277 = arith.constant 0 : index
    %get3A_278 = arith.constant 0 : index
    %get3A_279 = vector.load %arg23[%get3A_277, %get3A_278] : memref<1x128xf32, #tpu.memory_space<vmem>>, vector<1x128xf32>
    %add3A_280 = vector.broadcast %get3A_279 : vector<1x128xf32> to vector<128x128xf32>
    %add3A_281 = arith.addf %mul3A_276, %add3A_280 : vector<128x128xf32>
    %sub3A_282 = vector.broadcast %div3A_250 : vector<128x1xf32> to vector<128x64xf32>
    %sub3A_283 = arith.subf %get3A_181, %sub3A_282 : vector<128x64xf32>
    %mul3A_284 = vector.broadcast %rsqrt3A : vector<128x1xf32> to vector<128x64xf32>
    %mul3A_285 = arith.mulf %sub3A_283, %mul3A_284 : vector<128x64xf32>
    %get3A_286 = arith.constant 0 : index
    %get3A_287 = arith.constant 0 : index
    %get3A_288 = vector.load %arg22[%get3A_286, %get3A_287] : memref<1x64xf32, #tpu.memory_space<vmem>>, vector<1x64xf32>
    %mul3A_289 = vector.broadcast %get3A_288 : vector<1x64xf32> to vector<128x64xf32>
    %mul3A_290 = arith.mulf %mul3A_285, %mul3A_289 : vector<128x64xf32>
    %get3A_291 = arith.constant 0 : index
    %get3A_292 = arith.constant 0 : index
    %get3A_293 = vector.load %arg24[%get3A_291, %get3A_292] : memref<1x64xf32, #tpu.memory_space<vmem>>, vector<1x64xf32>
    %add3A_294 = vector.broadcast %get3A_293 : vector<1x64xf32> to vector<128x64xf32>
    %add3A_295 = arith.addf %mul3A_290, %add3A_294 : vector<128x64xf32>
    %get3A_296 = arith.constant 0 : index
    %get3A_297 = arith.constant 0 : index
    %get3A_298 = vector.load %arg25[%get3A_296, %get3A_297] : memref<128x192xf32, #tpu.memory_space<vmem>>, vector<128x192xf32>
    %dot_general3A = arith.constant dense<0.000000e+00> : vector<128x192xf32>
    %dot_general3A_299 = tpu.matmul %mul3A_242, %get3A_298, %dot_general3A {dimension_numbers = #tpu.dot_dimension_numbers<[1], [0], [0], [1], [0, 0, 1, 1], [], []>, transpose_lhs_hint = false} : vector<128x128xf32>, vector<128x192xf32>, vector<128x192xf32> -> vector<128x192xf32>
    %get3A_300 = arith.constant 0 : index
    %get3A_301 = arith.constant 0 : index
    %get3A_302 = vector.load %arg26[%get3A_300, %get3A_301] : memref<128x192xf32, #tpu.memory_space<vmem>>, vector<128x192xf32>
    %dot_general3A_303 = arith.constant dense<0.000000e+00> : vector<128x192xf32>
    %dot_general3A_304 = tpu.matmul %add3A_281, %get3A_302, %dot_general3A_303 {dimension_numbers = #tpu.dot_dimension_numbers<[1], [0], [0], [1], [0, 0, 1, 1], [], []>, transpose_lhs_hint = false} : vector<128x128xf32>, vector<128x192xf32>, vector<128x192xf32> -> vector<128x192xf32>
    %add3A_305 = arith.addf %dot_general3A_299, %dot_general3A_304 : vector<128x192xf32>
    %get3A_306 = arith.constant 0 : index
    %get3A_307 = arith.constant 0 : index
    %get3A_308 = vector.load %arg27[%get3A_306, %get3A_307] : memref<64x192xf32, #tpu.memory_space<vmem>>, vector<64x192xf32>
    %dot_general3A_309 = arith.constant dense<0.000000e+00> : vector<128x192xf32>
    %dot_general3A_310 = tpu.matmul %add3A_295, %get3A_308, %dot_general3A_309 {dimension_numbers = #tpu.dot_dimension_numbers<[1], [0], [0], [1], [0, 0, 1, 1], [], []>, transpose_lhs_hint = false} : vector<128x64xf32>, vector<64x192xf32>, vector<128x192xf32> -> vector<128x192xf32>
    %add3A_311 = arith.addf %add3A_305, %dot_general3A_310 : vector<128x192xf32>
    %get3A_312 = arith.constant 0 : index
    %get3A_313 = arith.constant 0 : index
    %get3A_314 = vector.load %arg28[%get3A_312, %get3A_313] : memref<64x192xf32, #tpu.memory_space<vmem>>, vector<64x192xf32>
    %dot_general3A_315 = arith.constant dense<0.000000e+00> : vector<128x192xf32>
    %dot_general3A_316 = tpu.matmul %select_n3A_226, %get3A_314, %dot_general3A_315 {dimension_numbers = #tpu.dot_dimension_numbers<[1], [0], [0], [1], [0, 0, 1, 1], [], []>, transpose_lhs_hint = false} : vector<128x64xf32>, vector<64x192xf32>, vector<128x192xf32> -> vector<128x192xf32>
    %add3A_317 = arith.addf %add3A_311, %dot_general3A_316 : vector<128x192xf32>
    %get3A_318 = arith.constant 0 : index
    %get3A_319 = arith.constant 0 : index
    %get3A_320 = vector.load %arg29[%get3A_318, %get3A_319] : memref<64x192xf32, #tpu.memory_space<vmem>>, vector<64x192xf32>
    %dot_general3A_321 = arith.constant dense<0.000000e+00> : vector<128x192xf32>
    %dot_general3A_322 = tpu.matmul %select_n3A_196, %get3A_320, %dot_general3A_321 {dimension_numbers = #tpu.dot_dimension_numbers<[1], [0], [0], [1], [0, 0, 1, 1], [], []>, transpose_lhs_hint = false} : vector<128x64xf32>, vector<64x192xf32>, vector<128x192xf32> -> vector<128x192xf32>
    %add3A_323 = arith.addf %add3A_317, %dot_general3A_322 : vector<128x192xf32>
    %get3A_324 = arith.constant 0 : index
    %get3A_325 = arith.constant 0 : index
    %get3A_326 = vector.load %arg30[%get3A_324, %get3A_325] : memref<1x192xf32, #tpu.memory_space<vmem>>, vector<1x192xf32>
    %add3A_327 = vector.broadcast %get3A_326 : vector<1x192xf32> to vector<128x192xf32>
    %add3A_328 = arith.addf %add3A_323, %add3A_327 : vector<128x192xf32>
    %slice3A = vector.extract_strided_slice %add3A_328 {offsets = [0, 0], sizes = [128, 128], strides = [1, 1]} : vector<128x192xf32> to vector<128x128xf32>
    %sub3A_329 = arith.subf %slice3A, %get3A_175 : vector<128x128xf32>
    %slice3A_330 = vector.extract_strided_slice %add3A_328 {offsets = [0, 128], sizes = [128, 64], strides = [1, 1]} : vector<128x192xf32> to vector<128x64xf32>
    %sub3A_331 = arith.subf %slice3A_330, %select_n3A_211 : vector<128x64xf32>
    %mul3A_332 = arith.mulf %sub3A_329, %sub3A_329 : vector<128x128xf32>
    %reduce_sum3A_333 = vector.shape_cast %mul3A_332 : vector<128x128xf32> to vector<1x128x128xf32>
    %reduce_sum3A_334 = arith.constant dense<0.000000e+00> : vector<1xf32>
    %reduce_sum3A_335 = vector.multi_reduction <add>, %reduce_sum3A_333, %reduce_sum3A_334 [1, 2] : vector<1x128x128xf32> to vector<1xf32>
    %reduce_sum3A_336 = vector.shape_cast %reduce_sum3A_335 : vector<1xf32> to vector<1x1x1xf32>
    %reduce_sum3A_337 = vector.extract %reduce_sum3A_336[0, 0, 0] : f32 from vector<1x1x1xf32>
    %mul3A_338 = arith.mulf %sub3A_331, %sub3A_331 : vector<128x64xf32>
    %reduce_sum3A_339 = vector.shape_cast %mul3A_338 : vector<128x64xf32> to vector<1x128x64xf32>
    %reduce_sum3A_340 = arith.constant dense<0.000000e+00> : vector<1xf32>
    %reduce_sum3A_341 = vector.multi_reduction <add>, %reduce_sum3A_339, %reduce_sum3A_340 [1, 2] : vector<1x128x64xf32> to vector<1xf32>
    %reduce_sum3A_342 = vector.shape_cast %reduce_sum3A_341 : vector<1xf32> to vector<1x1x1xf32>
    %reduce_sum3A_343 = vector.extract %reduce_sum3A_342[0, 0, 0] : f32 from vector<1x1x1xf32>
    %add3A_344 = arith.addf %reduce_sum3A_337, %reduce_sum3A_343 : f32
    %div3A_345 = arith.constant 1.920000e+02 : f32
    %div3A_346 = arith.divf %add3A_344, %div3A_345 : f32
    %get3A_347 = arith.constant 128 : index
    %get3A_348 = arith.constant 0 : index
    %get3A_349 = vector.load %arg35[%get3A_347, %get3A_348] : memref<256x128xf32, #tpu.memory_space<vmem>>, vector<128x128xf32>
    %sub3A_350 = arith.subf %get3A_349, %get3A_172 : vector<128x128xf32>
    %get3A_351 = arith.constant 128 : index
    %get3A_352 = arith.constant 0 : index
    %get3A_353 = vector.load %arg36[%get3A_351, %get3A_352] : memref<384x128xf32, #tpu.memory_space<vmem>>, vector<128x128xf32>
    %sub3A_354 = arith.subf %get3A_353, %get3A_175 : vector<128x128xf32>
    %mul3A_355 = arith.mulf %sub3A_350, %sub3A_350 : vector<128x128xf32>
    %reduce_sum3A_356 = vector.shape_cast %mul3A_355 : vector<128x128xf32> to vector<1x128x128xf32>
    %reduce_sum3A_357 = arith.constant dense<0.000000e+00> : vector<1xf32>
    %reduce_sum3A_358 = vector.multi_reduction <add>, %reduce_sum3A_356, %reduce_sum3A_357 [1, 2] : vector<1x128x128xf32> to vector<1xf32>
    %reduce_sum3A_359 = vector.shape_cast %reduce_sum3A_358 : vector<1xf32> to vector<1x1x1xf32>
    %reduce_sum3A_360 = vector.extract %reduce_sum3A_359[0, 0, 0] : f32 from vector<1x1x1xf32>
    %mul3A_361 = arith.mulf %sub3A_354, %sub3A_354 : vector<128x128xf32>
    %reduce_sum3A_362 = vector.shape_cast %mul3A_361 : vector<128x128xf32> to vector<1x128x128xf32>
    %reduce_sum3A_363 = arith.constant dense<0.000000e+00> : vector<1xf32>
    %reduce_sum3A_364 = vector.multi_reduction <add>, %reduce_sum3A_362, %reduce_sum3A_363 [1, 2] : vector<1x128x128xf32> to vector<1xf32>
    %reduce_sum3A_365 = vector.shape_cast %reduce_sum3A_364 : vector<1xf32> to vector<1x1x1xf32>
    %reduce_sum3A_366 = vector.extract %reduce_sum3A_365[0, 0, 0] : f32 from vector<1x1x1xf32>
    %add3A_367 = arith.addf %reduce_sum3A_360, %reduce_sum3A_366 : f32
    %div3A_368 = arith.constant 1.280000e+02 : f32
    %div3A_369 = arith.divf %add3A_367, %div3A_368 : f32
    %add3A_370 = arith.addf %div3A_346, %div3A_369 : f32
    %reshape3A = vector.broadcast %add3A_370 : f32 to vector<1x1xf32>
    %swap3A_371 = arith.constant 0 : index
    %swap3A_372 = arith.constant 0 : index
    %swap3A_373 = vector.load %arg34[%swap3A_371, %swap3A_372] : memref<1x1xf32, #tpu.memory_space<vmem>>, vector<1x1xf32>
    tpu.vector_store %arg34[%swap3A_371, %swap3A_372], %reshape3A {strides = array<i32>} : memref<1x1xf32, #tpu.memory_space<vmem>>, vector<1x1xf32>,
    %rem3A_374 = arith.constant 34 : i32
    %rem3A_375 = arith.constant 16 : i32
    %rem3A_376 = arith.remsi %rem3A_374, %rem3A_375 : i32
    %rem3A_377 = arith.constant 34 : i32
    %rem3A_378 = arith.constant 16 : i32
    %rem3A_379 = arith.remsi %rem3A_377, %rem3A_378 : i32
    %dma_wait3A = tpu.memref_slice %arg43[%rem3A_379] : memref<16x!tpu.dma_semaphore, #tpu.memory_space<semaphore_mem>> -> memref<1x!tpu.dma_semaphore, #tpu.memory_space<semaphore_mem>>
    %dma_wait3A_380 = tpu.memref_squeeze %dma_wait3A : memref<1x!tpu.dma_semaphore, #tpu.memory_space<semaphore_mem>> -> memref<!tpu.dma_semaphore, #tpu.memory_space<semaphore_mem>>
    %dma_wait3A_381 = arith.constant 136000 : i32
    %dma_wait3A_382 = arith.constant 0 : i32
    %dma_wait3A_383 = tpu.memref_slice %arg33[%dma_wait3A_381, %dma_wait3A_382] : memref<200000x128xf32, #tpu.memory_space<any>> -> memref<4000x128xf32, #tpu.memory_space<any>>
    %dma_wait3A_384 = arith.constant 0 : i32
    %dma_wait3A_385 = arith.constant 0 : i32
    %dma_wait3A_386 = tpu.memref_slice %arg41[%rem3A_376, %dma_wait3A_384, %dma_wait3A_385] : memref<16x4000x128xf32, #tpu.memory_space<vmem>> -> memref<1x4000x128xf32, #tpu.memory_space<vmem>>
    %dma_wait3A_387 = tpu.memref_squeeze %dma_wait3A_386 : memref<1x4000x128xf32, #tpu.memory_space<vmem>> -> memref<4000x128xf32, #tpu.memory_space<vmem>>
    tpu.wait_dma2 semaphore(%dma_wait3A_380 : memref<!tpu.dma_semaphore, #tpu.memory_space<semaphore_mem>>) src(%dma_wait3A_387 : memref<4000x128xf32, #tpu.memory_space<vmem>>) dst(%dma_wait3A_383 : memref<4000x128xf32, #tpu.memory_space<any>>)
    %rem3A_388 = arith.constant 35 : i32
    %rem3A_389 = arith.constant 16 : i32
    %rem3A_390 = arith.remsi %rem3A_388, %rem3A_389 : i32
    %rem3A_391 = arith.constant 35 : i32
    %rem3A_392 = arith.constant 16 : i32
    %rem3A_393 = arith.remsi %rem3A_391, %rem3A_392 : i32
    %dma_wait3A_394 = tpu.memref_slice %arg43[%rem3A_393] : memref<16x!tpu.dma_semaphore, #tpu.memory_space<semaphore_mem>> -> memref<1x!tpu.dma_semaphore, #tpu.memory_space<semaphore_mem>>
    %dma_wait3A_395 = tpu.memref_squeeze %dma_wait3A_394 : memref<1x!tpu.dma_semaphore, #tpu.memory_space<semaphore_mem>> -> memref<!tpu.dma_semaphore, #tpu.memory_space<semaphore_mem>>
    %dma_wait3A_396 = arith.constant 140000 : i32
    %dma_wait3A_397 = arith.constant 0 : i32
    %dma_wait3A_398 = tpu.memref_slice %arg33[%dma_wait3A_396, %dma_wait3A_397] : memref<200000x128xf32, #tpu.memory_space<any>> -> memref<4000x128xf32, #tpu.memory_space<any>>
    %dma_wait3A_399 = arith.constant 0 : i32
    %dma_wait3A_400 = arith.constant 0 : i32
    %dma_wait3A_401 = tpu.memref_slice %arg41[%rem3A_390, %dma_wait3A_399, %dma_wait3A_400] : memref<16x4000x128xf32, #tpu.memory_space<vmem>> -> memref<1x4000x128xf32, #tpu.memory_space<vmem>>
    %dma_wait3A_402 = tpu.memref_squeeze %dma_wait3A_401 : memref<1x4000x128xf32, #tpu.memory_space<vmem>> -> memref<4000x128xf32, #tpu.memory_space<vmem>>
    tpu.wait_dma2 semaphore(%dma_wait3A_395 : memref<!tpu.dma_semaphore, #tpu.memory_space<semaphore_mem>>) src(%dma_wait3A_402 : memref<4000x128xf32, #tpu.memory_space<vmem>>) dst(%dma_wait3A_398 : memref<4000x128xf32, #tpu.memory_space<any>>)
    %rem3A_403 = arith.constant 36 : i32
    %rem3A_404 = arith.constant 16 : i32
    %rem3A_405 = arith.remsi %rem3A_403, %rem3A_404 : i32
    %rem3A_406 = arith.constant 36 : i32
    %rem3A_407 = arith.constant 16 : i32
    %rem3A_408 = arith.remsi %rem3A_406, %rem3A_407 : i32
    %dma_wait3A_409 = tpu.memref_slice %arg43[%rem3A_408] : memref<16x!tpu.dma_semaphore, #tpu.memory_space<semaphore_mem>> -> memref<1x!tpu.dma_semaphore, #tpu.memory_space<semaphore_mem>>
    %dma_wait3A_410 = tpu.memref_squeeze %dma_wait3A_409 : memref<1x!tpu.dma_semaphore, #tpu.memory_space<semaphore_mem>> -> memref<!tpu.dma_semaphore, #tpu.memory_space<semaphore_mem>>
    %dma_wait3A_411 = arith.constant 144000 : i32
    %dma_wait3A_412 = arith.constant 0 : i32
    %dma_wait3A_413 = tpu.memref_slice %arg33[%dma_wait3A_411, %dma_wait3A_412] : memref<200000x128xf32, #tpu.memory_space<any>> -> memref<4000x128xf32, #tpu.memory_space<any>>
    %dma_wait3A_414 = arith.constant 0 : i32
    %dma_wait3A_415 = arith.constant 0 : i32
    %dma_wait3A_416 = tpu.memref_slice %arg41[%rem3A_405, %dma_wait3A_414, %dma_wait3A_415] : memref<16x4000x128xf32, #tpu.memory_space<vmem>> -> memref<1x4000x128xf32, #tpu.memory_space<vmem>>
    %dma_wait3A_417 = tpu.memref_squeeze %dma_wait3A_416 : memref<1x4000x128xf32, #tpu.memory_space<vmem>> -> memref<4000x128xf32, #tpu.memory_space<vmem>>
    tpu.wait_dma2 semaphore(%dma_wait3A_410 : memref<!tpu.dma_semaphore, #tpu.memory_space<semaphore_mem>>) src(%dma_wait3A_417 : memref<4000x128xf32, #tpu.memory_space<vmem>>) dst(%dma_wait3A_413 : memref<4000x128xf32, #tpu.memory_space<any>>)
    %rem3A_418 = arith.constant 37 : i32
    %rem3A_419 = arith.constant 16 : i32
    %rem3A_420 = arith.remsi %rem3A_418, %rem3A_419 : i32
    %rem3A_421 = arith.constant 37 : i32
    %rem3A_422 = arith.constant 16 : i32
    %rem3A_423 = arith.remsi %rem3A_421, %rem3A_422 : i32
    %dma_wait3A_424 = tpu.memref_slice %arg43[%rem3A_423] : memref<16x!tpu.dma_semaphore, #tpu.memory_space<semaphore_mem>> -> memref<1x!tpu.dma_semaphore, #tpu.memory_space<semaphore_mem>>
    %dma_wait3A_425 = tpu.memref_squeeze %dma_wait3A_424 : memref<1x!tpu.dma_semaphore, #tpu.memory_space<semaphore_mem>> -> memref<!tpu.dma_semaphore, #tpu.memory_space<semaphore_mem>>
    %dma_wait3A_426 = arith.constant 148000 : i32
    %dma_wait3A_427 = arith.constant 0 : i32
    %dma_wait3A_428 = tpu.memref_slice %arg33[%dma_wait3A_426, %dma_wait3A_427] : memref<200000x128xf32, #tpu.memory_space<any>> -> memref<4000x128xf32, #tpu.memory_space<any>>
    %dma_wait3A_429 = arith.constant 0 : i32
    %dma_wait3A_430 = arith.constant 0 : i32
    %dma_wait3A_431 = tpu.memref_slice %arg41[%rem3A_420, %dma_wait3A_429, %dma_wait3A_430] : memref<16x4000x128xf32, #tpu.memory_space<vmem>> -> memref<1x4000x128xf32, #tpu.memory_space<vmem>>
    %dma_wait3A_432 = tpu.memref_squeeze %dma_wait3A_431 : memref<1x4000x128xf32, #tpu.memory_space<vmem>> -> memref<4000x128xf32, #tpu.memory_space<vmem>>
    tpu.wait_dma2 semaphore(%dma_wait3A_425 : memref<!tpu.dma_semaphore, #tpu.memory_space<semaphore_mem>>) src(%dma_wait3A_432 : memref<4000x128xf32, #tpu.memory_space<vmem>>) dst(%dma_wait3A_428 : memref<4000x128xf32, #tpu.memory_space<any>>)
    %rem3A_433 = arith.constant 38 : i32
    %rem3A_434 = arith.constant 16 : i32
    %rem3A_435 = arith.remsi %rem3A_433, %rem3A_434 : i32
    %rem3A_436 = arith.constant 38 : i32
    %rem3A_437 = arith.constant 16 : i32
    %rem3A_438 = arith.remsi %rem3A_436, %rem3A_437 : i32
    %dma_wait3A_439 = tpu.memref_slice %arg43[%rem3A_438] : memref<16x!tpu.dma_semaphore, #tpu.memory_space<semaphore_mem>> -> memref<1x!tpu.dma_semaphore, #tpu.memory_space<semaphore_mem>>
    %dma_wait3A_440 = tpu.memref_squeeze %dma_wait3A_439 : memref<1x!tpu.dma_semaphore, #tpu.memory_space<semaphore_mem>> -> memref<!tpu.dma_semaphore, #tpu.memory_space<semaphore_mem>>
    %dma_wait3A_441 = arith.constant 152000 : i32
    %dma_wait3A_442 = arith.constant 0 : i32
    %dma_wait3A_443 = tpu.memref_slice %arg33[%dma_wait3A_441, %dma_wait3A_442] : memref<200000x128xf32, #tpu.memory_space<any>> -> memref<4000x128xf32, #tpu.memory_space<any>>
    %dma_wait3A_444 = arith.constant 0 : i32
    %dma_wait3A_445 = arith.constant 0 : i32
    %dma_wait3A_446 = tpu.memref_slice %arg41[%rem3A_435, %dma_wait3A_444, %dma_wait3A_445] : memref<16x4000x128xf32, #tpu.memory_space<vmem>> -> memref<1x4000x128xf32, #tpu.memory_space<vmem>>
    %dma_wait3A_447 = tpu.memref_squeeze %dma_wait3A_446 : memref<1x4000x128xf32, #tpu.memory_space<vmem>> -> memref<4000x128xf32, #tpu.memory_space<vmem>>
    tpu.wait_dma2 semaphore(%dma_wait3A_440 : memref<!tpu.dma_semaphore, #tpu.memory_space<semaphore_mem>>) src(%dma_wait3A_447 : memref<4000x128xf32, #tpu.memory_space<vmem>>) dst(%dma_wait3A_443 : memref<4000x128xf32, #tpu.memory_space<any>>)
    %rem3A_448 = arith.constant 39 : i32
    %rem3A_449 = arith.constant 16 : i32
    %rem3A_450 = arith.remsi %rem3A_448, %rem3A_449 : i32
    %rem3A_451 = arith.constant 39 : i32
    %rem3A_452 = arith.constant 16 : i32
    %rem3A_453 = arith.remsi %rem3A_451, %rem3A_452 : i32
    %dma_wait3A_454 = tpu.memref_slice %arg43[%rem3A_453] : memref<16x!tpu.dma_semaphore, #tpu.memory_space<semaphore_mem>> -> memref<1x!tpu.dma_semaphore, #tpu.memory_space<semaphore_mem>>
    %dma_wait3A_455 = tpu.memref_squeeze %dma_wait3A_454 : memref<1x!tpu.dma_semaphore, #tpu.memory_space<semaphore_mem>> -> memref<!tpu.dma_semaphore, #tpu.memory_space<semaphore_mem>>
    %dma_wait3A_456 = arith.constant 156000 : i32
    %dma_wait3A_457 = arith.constant 0 : i32
    %dma_wait3A_458 = tpu.memref_slice %arg33[%dma_wait3A_456, %dma_wait3A_457] : memref<200000x128xf32, #tpu.memory_space<any>> -> memref<4000x128xf32, #tpu.memory_space<any>>
    %dma_wait3A_459 = arith.constant 0 : i32
    %dma_wait3A_460 = arith.constant 0 : i32
    %dma_wait3A_461 = tpu.memref_slice %arg41[%rem3A_450, %dma_wait3A_459, %dma_wait3A_460] : memref<16x4000x128xf32, #tpu.memory_space<vmem>> -> memref<1x4000x128xf32, #tpu.memory_space<vmem>>
    %dma_wait3A_462 = tpu.memref_squeeze %dma_wait3A_461 : memref<1x4000x128xf32, #tpu.memory_space<vmem>> -> memref<4000x128xf32, #tpu.memory_space<vmem>>
    tpu.wait_dma2 semaphore(%dma_wait3A_455 : memref<!tpu.dma_semaphore, #tpu.memory_space<semaphore_mem>>) src(%dma_wait3A_462 : memref<4000x128xf32, #tpu.memory_space<vmem>>) dst(%dma_wait3A_458 : memref<4000x128xf32, #tpu.memory_space<any>>)
    %rem3A_463 = arith.constant 40 : i32
    %rem3A_464 = arith.constant 16 : i32
    %rem3A_465 = arith.remsi %rem3A_463, %rem3A_464 : i32
    %rem3A_466 = arith.constant 40 : i32
    %rem3A_467 = arith.constant 16 : i32
    %rem3A_468 = arith.remsi %rem3A_466, %rem3A_467 : i32
    %dma_wait3A_469 = tpu.memref_slice %arg43[%rem3A_468] : memref<16x!tpu.dma_semaphore, #tpu.memory_space<semaphore_mem>> -> memref<1x!tpu.dma_semaphore, #tpu.memory_space<semaphore_mem>>
    %dma_wait3A_470 = tpu.memref_squeeze %dma_wait3A_469 : memref<1x!tpu.dma_semaphore, #tpu.memory_space<semaphore_mem>> -> memref<!tpu.dma_semaphore, #tpu.memory_space<semaphore_mem>>
    %dma_wait3A_471 = arith.constant 160000 : i32
    %dma_wait3A_472 = arith.constant 0 : i32
    %dma_wait3A_473 = tpu.memref_slice %arg33[%dma_wait3A_471, %dma_wait3A_472] : memref<200000x128xf32, #tpu.memory_space<any>> -> memref<4000x128xf32, #tpu.memory_space<any>>
    %dma_wait3A_474 = arith.constant 0 : i32
    %dma_wait3A_475 = arith.constant 0 : i32
    %dma_wait3A_476 = tpu.memref_slice %arg41[%rem3A_465, %dma_wait3A_474, %dma_wait3A_475] : memref<16x4000x128xf32, #tpu.memory_space<vmem>> -> memref<1x4000x128xf32, #tpu.memory_space<vmem>>
    %dma_wait3A_477 = tpu.memref_squeeze %dma_wait3A_476 : memref<1x4000x128xf32, #tpu.memory_space<vmem>> -> memref<4000x128xf32, #tpu.memory_space<vmem>>
    tpu.wait_dma2 semaphore(%dma_wait3A_470 : memref<!tpu.dma_semaphore, #tpu.memory_space<semaphore_mem>>) src(%dma_wait3A_477 : memref<4000x128xf32, #tpu.memory_space<vmem>>) dst(%dma_wait3A_473 : memref<4000x128xf32, #tpu.memory_space<any>>)
    %rem3A_478 = arith.constant 41 : i32
    %rem3A_479 = arith.constant 16 : i32
    %rem3A_480 = arith.remsi %rem3A_478, %rem3A_479 : i32
    %rem3A_481 = arith.constant 41 : i32
    %rem3A_482 = arith.constant 16 : i32
    %rem3A_483 = arith.remsi %rem3A_481, %rem3A_482 : i32
    %dma_wait3A_484 = tpu.memref_slice %arg43[%rem3A_483] : memref<16x!tpu.dma_semaphore, #tpu.memory_space<semaphore_mem>> -> memref<1x!tpu.dma_semaphore, #tpu.memory_space<semaphore_mem>>
    %dma_wait3A_485 = tpu.memref_squeeze %dma_wait3A_484 : memref<1x!tpu.dma_semaphore, #tpu.memory_space<semaphore_mem>> -> memref<!tpu.dma_semaphore, #tpu.memory_space<semaphore_mem>>
    %dma_wait3A_486 = arith.constant 164000 : i32
    %dma_wait3A_487 = arith.constant 0 : i32
    %dma_wait3A_488 = tpu.memref_slice %arg33[%dma_wait3A_486, %dma_wait3A_487] : memref<200000x128xf32, #tpu.memory_space<any>> -> memref<4000x128xf32, #tpu.memory_space<any>>
    %dma_wait3A_489 = arith.constant 0 : i32
    %dma_wait3A_490 = arith.constant 0 : i32
    %dma_wait3A_491 = tpu.memref_slice %arg41[%rem3A_480, %dma_wait3A_489, %dma_wait3A_490] : memref<16x4000x128xf32, #tpu.memory_space<vmem>> -> memref<1x4000x128xf32, #tpu.memory_space<vmem>>
    %dma_wait3A_492 = tpu.memref_squeeze %dma_wait3A_491 : memref<1x4000x128xf32, #tpu.memory_space<vmem>> -> memref<4000x128xf32, #tpu.memory_space<vmem>>
    tpu.wait_dma2 semaphore(%dma_wait3A_485 : memref<!tpu.dma_semaphore, #tpu.memory_space<semaphore_mem>>) src(%dma_wait3A_492 : memref<4000x128xf32, #tpu.memory_space<vmem>>) dst(%dma_wait3A_488 : memref<4000x128xf32, #tpu.memory_space<any>>)
    %rem3A_493 = arith.constant 42 : i32
    %rem3A_494 = arith.constant 16 : i32
    %rem3A_495 = arith.remsi %rem3A_493, %rem3A_494 : i32
    %rem3A_496 = arith.constant 42 : i32
    %rem3A_497 = arith.constant 16 : i32
    %rem3A_498 = arith.remsi %rem3A_496, %rem3A_497 : i32
    %dma_wait3A_499 = tpu.memref_slice %arg43[%rem3A_498] : memref<16x!tpu.dma_semaphore, #tpu.memory_space<semaphore_mem>> -> memref<1x!tpu.dma_semaphore, #tpu.memory_space<semaphore_mem>>
    %dma_wait3A_500 = tpu.memref_squeeze %dma_wait3A_499 : memref<1x!tpu.dma_semaphore, #tpu.memory_space<semaphore_mem>> -> memref<!tpu.dma_semaphore, #tpu.memory_space<semaphore_mem>>
    %dma_wait3A_501 = arith.constant 168000 : i32
    %dma_wait3A_502 = arith.constant 0 : i32
    %dma_wait3A_503 = tpu.memref_slice %arg33[%dma_wait3A_501, %dma_wait3A_502] : memref<200000x128xf32, #tpu.memory_space<any>> -> memref<4000x128xf32, #tpu.memory_space<any>>
    %dma_wait3A_504 = arith.constant 0 : i32
    %dma_wait3A_505 = arith.constant 0 : i32
    %dma_wait3A_506 = tpu.memref_slice %arg41[%rem3A_495, %dma_wait3A_504, %dma_wait3A_505] : memref<16x4000x128xf32, #tpu.memory_space<vmem>> -> memref<1x4000x128xf32, #tpu.memory_space<vmem>>
    %dma_wait3A_507 = tpu.memref_squeeze %dma_wait3A_506 : memref<1x4000x128xf32, #tpu.memory_space<vmem>> -> memref<4000x128xf32, #tpu.memory_space<vmem>>
    tpu.wait_dma2 semaphore(%dma_wait3A_500 : memref<!tpu.dma_semaphore, #tpu.memory_space<semaphore_mem>>) src(%dma_wait3A_507 : memref<4000x128xf32, #tpu.memory_space<vmem>>) dst(%dma_wait3A_503 : memref<4000x128xf32, #tpu.memory_space<any>>)
    %rem3A_508 = arith.constant 43 : i32
    %rem3A_509 = arith.constant 16 : i32
    %rem3A_510 = arith.remsi %rem3A_508, %rem3A_509 : i32
    %rem3A_511 = arith.constant 43 : i32
    %rem3A_512 = arith.constant 16 : i32
    %rem3A_513 = arith.remsi %rem3A_511, %rem3A_512 : i32
    %dma_wait3A_514 = tpu.memref_slice %arg43[%rem3A_513] : memref<16x!tpu.dma_semaphore, #tpu.memory_space<semaphore_mem>> -> memref<1x!tpu.dma_semaphore, #tpu.memory_space<semaphore_mem>>
    %dma_wait3A_515 = tpu.memref_squeeze %dma_wait3A_514 : memref<1x!tpu.dma_semaphore, #tpu.memory_space<semaphore_mem>> -> memref<!tpu.dma_semaphore, #tpu.memory_space<semaphore_mem>>
    %dma_wait3A_516 = arith.constant 172000 : i32
    %dma_wait3A_517 = arith.constant 0 : i32
    %dma_wait3A_518 = tpu.memref_slice %arg33[%dma_wait3A_516, %dma_wait3A_517] : memref<200000x128xf32, #tpu.memory_space<any>> -> memref<4000x128xf32, #tpu.memory_space<any>>
    %dma_wait3A_519 = arith.constant 0 : i32
    %dma_wait3A_520 = arith.constant 0 : i32
    %dma_wait3A_521 = tpu.memref_slice %arg41[%rem3A_510, %dma_wait3A_519, %dma_wait3A_520] : memref<16x4000x128xf32, #tpu.memory_space<vmem>> -> memref<1x4000x128xf32, #tpu.memory_space<vmem>>
    %dma_wait3A_522 = tpu.memref_squeeze %dma_wait3A_521 : memref<1x4000x128xf32, #tpu.memory_space<vmem>> -> memref<4000x128xf32, #tpu.memory_space<vmem>>
    tpu.wait_dma2 semaphore(%dma_wait3A_515 : memref<!tpu.dma_semaphore, #tpu.memory_space<semaphore_mem>>) src(%dma_wait3A_522 : memref<4000x128xf32, #tpu.memory_space<vmem>>) dst(%dma_wait3A_518 : memref<4000x128xf32, #tpu.memory_space<any>>)
    %rem3A_523 = arith.constant 44 : i32
    %rem3A_524 = arith.constant 16 : i32
    %rem3A_525 = arith.remsi %rem3A_523, %rem3A_524 : i32
    %rem3A_526 = arith.constant 44 : i32
    %rem3A_527 = arith.constant 16 : i32
    %rem3A_528 = arith.remsi %rem3A_526, %rem3A_527 : i32
    %dma_wait3A_529 = tpu.memref_slice %arg43[%rem3A_528] : memref<16x!tpu.dma_semaphore, #tpu.memory_space<semaphore_mem>> -> memref<1x!tpu.dma_semaphore, #tpu.memory_space<semaphore_mem>>
    %dma_wait3A_530 = tpu.memref_squeeze %dma_wait3A_529 : memref<1x!tpu.dma_semaphore, #tpu.memory_space<semaphore_mem>> -> memref<!tpu.dma_semaphore, #tpu.memory_space<semaphore_mem>>
    %dma_wait3A_531 = arith.constant 176000 : i32
    %dma_wait3A_532 = arith.constant 0 : i32
    %dma_wait3A_533 = tpu.memref_slice %arg33[%dma_wait3A_531, %dma_wait3A_532] : memref<200000x128xf32, #tpu.memory_space<any>> -> memref<4000x128xf32, #tpu.memory_space<any>>
    %dma_wait3A_534 = arith.constant 0 : i32
    %dma_wait3A_535 = arith.constant 0 : i32
    %dma_wait3A_536 = tpu.memref_slice %arg41[%rem3A_525, %dma_wait3A_534, %dma_wait3A_535] : memref<16x4000x128xf32, #tpu.memory_space<vmem>> -> memref<1x4000x128xf32, #tpu.memory_space<vmem>>
    %dma_wait3A_537 = tpu.memref_squeeze %dma_wait3A_536 : memref<1x4000x128xf32, #tpu.memory_space<vmem>> -> memref<4000x128xf32, #tpu.memory_space<vmem>>
    tpu.wait_dma2 semaphore(%dma_wait3A_530 : memref<!tpu.dma_semaphore, #tpu.memory_space<semaphore_mem>>) src(%dma_wait3A_537 : memref<4000x128xf32, #tpu.memory_space<vmem>>) dst(%dma_wait3A_533 : memref<4000x128xf32, #tpu.memory_space<any>>)
    %rem3A_538 = arith.constant 45 : i32
    %rem3A_539 = arith.constant 16 : i32
    %rem3A_540 = arith.remsi %rem3A_538, %rem3A_539 : i32
    %rem3A_541 = arith.constant 45 : i32
    %rem3A_542 = arith.constant 16 : i32
    %rem3A_543 = arith.remsi %rem3A_541, %rem3A_542 : i32
    %dma_wait3A_544 = tpu.memref_slice %arg43[%rem3A_543] : memref<16x!tpu.dma_semaphore, #tpu.memory_space<semaphore_mem>> -> memref<1x!tpu.dma_semaphore, #tpu.memory_space<semaphore_mem>>
    %dma_wait3A_545 = tpu.memref_squeeze %dma_wait3A_544 : memref<1x!tpu.dma_semaphore, #tpu.memory_space<semaphore_mem>> -> memref<!tpu.dma_semaphore, #tpu.memory_space<semaphore_mem>>
    %dma_wait3A_546 = arith.constant 180000 : i32
    %dma_wait3A_547 = arith.constant 0 : i32
    %dma_wait3A_548 = tpu.memref_slice %arg33[%dma_wait3A_546, %dma_wait3A_547] : memref<200000x128xf32, #tpu.memory_space<any>> -> memref<4000x128xf32, #tpu.memory_space<any>>
    %dma_wait3A_549 = arith.constant 0 : i32
    %dma_wait3A_550 = arith.constant 0 : i32
    %dma_wait3A_551 = tpu.memref_slice %arg41[%rem3A_540, %dma_wait3A_549, %dma_wait3A_550] : memref<16x4000x128xf32, #tpu.memory_space<vmem>> -> memref<1x4000x128xf32, #tpu.memory_space<vmem>>
    %dma_wait3A_552 = tpu.memref_squeeze %dma_wait3A_551 : memref<1x4000x128xf32, #tpu.memory_space<vmem>> -> memref<4000x128xf32, #tpu.memory_space<vmem>>
    tpu.wait_dma2 semaphore(%dma_wait3A_545 : memref<!tpu.dma_semaphore, #tpu.memory_space<semaphore_mem>>) src(%dma_wait3A_552 : memref<4000x128xf32, #tpu.memory_space<vmem>>) dst(%dma_wait3A_548 : memref<4000x128xf32, #tpu.memory_space<any>>)
    %rem3A_553 = arith.constant 46 : i32
    %rem3A_554 = arith.constant 16 : i32
    %rem3A_555 = arith.remsi %rem3A_553, %rem3A_554 : i32
    %rem3A_556 = arith.constant 46 : i32
    %rem3A_557 = arith.constant 16 : i32
    %rem3A_558 = arith.remsi %rem3A_556, %rem3A_557 : i32
    %dma_wait3A_559 = tpu.memref_slice %arg43[%rem3A_558] : memref<16x!tpu.dma_semaphore, #tpu.memory_space<semaphore_mem>> -> memref<1x!tpu.dma_semaphore, #tpu.memory_space<semaphore_mem>>
    %dma_wait3A_560 = tpu.memref_squeeze %dma_wait3A_559 : memref<1x!tpu.dma_semaphore, #tpu.memory_space<semaphore_mem>> -> memref<!tpu.dma_semaphore, #tpu.memory_space<semaphore_mem>>
    %dma_wait3A_561 = arith.constant 184000 : i32
    %dma_wait3A_562 = arith.constant 0 : i32
    %dma_wait3A_563 = tpu.memref_slice %arg33[%dma_wait3A_561, %dma_wait3A_562] : memref<200000x128xf32, #tpu.memory_space<any>> -> memref<4000x128xf32, #tpu.memory_space<any>>
    %dma_wait3A_564 = arith.constant 0 : i32
    %dma_wait3A_565 = arith.constant 0 : i32
    %dma_wait3A_566 = tpu.memref_slice %arg41[%rem3A_555, %dma_wait3A_564, %dma_wait3A_565] : memref<16x4000x128xf32, #tpu.memory_space<vmem>> -> memref<1x4000x128xf32, #tpu.memory_space<vmem>>
    %dma_wait3A_567 = tpu.memref_squeeze %dma_wait3A_566 : memref<1x4000x128xf32, #tpu.memory_space<vmem>> -> memref<4000x128xf32, #tpu.memory_space<vmem>>
    tpu.wait_dma2 semaphore(%dma_wait3A_560 : memref<!tpu.dma_semaphore, #tpu.memory_space<semaphore_mem>>) src(%dma_wait3A_567 : memref<4000x128xf32, #tpu.memory_space<vmem>>) dst(%dma_wait3A_563 : memref<4000x128xf32, #tpu.memory_space<any>>)
    %rem3A_568 = arith.constant 47 : i32
    %rem3A_569 = arith.constant 16 : i32
    %rem3A_570 = arith.remsi %rem3A_568, %rem3A_569 : i32
    %rem3A_571 = arith.constant 47 : i32
    %rem3A_572 = arith.constant 16 : i32
    %rem3A_573 = arith.remsi %rem3A_571, %rem3A_572 : i32
    %dma_wait3A_574 = tpu.memref_slice %arg43[%rem3A_573] : memref<16x!tpu.dma_semaphore, #tpu.memory_space<semaphore_mem>> -> memref<1x!tpu.dma_semaphore, #tpu.memory_space<semaphore_mem>>
    %dma_wait3A_575 = tpu.memref_squeeze %dma_wait3A_574 : memref<1x!tpu.dma_semaphore, #tpu.memory_space<semaphore_mem>> -> memref<!tpu.dma_semaphore, #tpu.memory_space<semaphore_mem>>
    %dma_wait3A_576 = arith.constant 188000 : i32
    %dma_wait3A_577 = arith.constant 0 : i32
    %dma_wait3A_578 = tpu.memref_slice %arg33[%dma_wait3A_576, %dma_wait3A_577] : memref<200000x128xf32, #tpu.memory_space<any>> -> memref<4000x128xf32, #tpu.memory_space<any>>
    %dma_wait3A_579 = arith.constant 0 : i32
    %dma_wait3A_580 = arith.constant 0 : i32
    %dma_wait3A_581 = tpu.memref_slice %arg41[%rem3A_570, %dma_wait3A_579, %dma_wait3A_580] : memref<16x4000x128xf32, #tpu.memory_space<vmem>> -> memref<1x4000x128xf32, #tpu.memory_space<vmem>>
    %dma_wait3A_582 = tpu.memref_squeeze %dma_wait3A_581 : memref<1x4000x128xf32, #tpu.memory_space<vmem>> -> memref<4000x128xf32, #tpu.memory_space<vmem>>
    tpu.wait_dma2 semaphore(%dma_wait3A_575 : memref<!tpu.dma_semaphore, #tpu.memory_space<semaphore_mem>>) src(%dma_wait3A_582 : memref<4000x128xf32, #tpu.memory_space<vmem>>) dst(%dma_wait3A_578 : memref<4000x128xf32, #tpu.memory_space<any>>)
    %rem3A_583 = arith.constant 48 : i32
    %rem3A_584 = arith.constant 16 : i32
    %rem3A_585 = arith.remsi %rem3A_583, %rem3A_584 : i32
    %rem3A_586 = arith.constant 48 : i32
    %rem3A_587 = arith.constant 16 : i32
    %rem3A_588 = arith.remsi %rem3A_586, %rem3A_587 : i32
    %dma_wait3A_589 = tpu.memref_slice %arg43[%rem3A_588] : memref<16x!tpu.dma_semaphore, #tpu.memory_space<semaphore_mem>> -> memref<1x!tpu.dma_semaphore, #tpu.memory_space<semaphore_mem>>
    %dma_wait3A_590 = tpu.memref_squeeze %dma_wait3A_589 : memref<1x!tpu.dma_semaphore, #tpu.memory_space<semaphore_mem>> -> memref<!tpu.dma_semaphore, #tpu.memory_space<semaphore_mem>>
    %dma_wait3A_591 = arith.constant 192000 : i32
    %dma_wait3A_592 = arith.constant 0 : i32
    %dma_wait3A_593 = tpu.memref_slice %arg33[%dma_wait3A_591, %dma_wait3A_592] : memref<200000x128xf32, #tpu.memory_space<any>> -> memref<4000x128xf32, #tpu.memory_space<any>>
    %dma_wait3A_594 = arith.constant 0 : i32
    %dma_wait3A_595 = arith.constant 0 : i32
    %dma_wait3A_596 = tpu.memref_slice %arg41[%rem3A_585, %dma_wait3A_594, %dma_wait3A_595] : memref<16x4000x128xf32, #tpu.memory_space<vmem>> -> memref<1x4000x128xf32, #tpu.memory_space<vmem>>
    %dma_wait3A_597 = tpu.memref_squeeze %dma_wait3A_596 : memref<1x4000x128xf32, #tpu.memory_space<vmem>> -> memref<4000x128xf32, #tpu.memory_space<vmem>>
    tpu.wait_dma2 semaphore(%dma_wait3A_590 : memref<!tpu.dma_semaphore, #tpu.memory_space<semaphore_mem>>) src(%dma_wait3A_597 : memref<4000x128xf32, #tpu.memory_space<vmem>>) dst(%dma_wait3A_593 : memref<4000x128xf32, #tpu.memory_space<any>>)
    %rem3A_598 = arith.constant 49 : i32
    %rem3A_599 = arith.constant 16 : i32
    %rem3A_600 = arith.remsi %rem3A_598, %rem3A_599 : i32
    %rem3A_601 = arith.constant 49 : i32
    %rem3A_602 = arith.constant 16 : i32
    %rem3A_603 = arith.remsi %rem3A_601, %rem3A_602 : i32
    %dma_wait3A_604 = tpu.memref_slice %arg43[%rem3A_603] : memref<16x!tpu.dma_semaphore, #tpu.memory_space<semaphore_mem>> -> memref<1x!tpu.dma_semaphore, #tpu.memory_space<semaphore_mem>>
    %dma_wait3A_605 = tpu.memref_squeeze %dma_wait3A_604 : memref<1x!tpu.dma_semaphore, #tpu.memory_space<semaphore_mem>> -> memref<!tpu.dma_semaphore, #tpu.memory_space<semaphore_mem>>
    %dma_wait3A_606 = arith.constant 196000 : i32
    %dma_wait3A_607 = arith.constant 0 : i32
    %dma_wait3A_608 = tpu.memref_slice %arg33[%dma_wait3A_606, %dma_wait3A_607] : memref<200000x128xf32, #tpu.memory_space<any>> -> memref<4000x128xf32, #tpu.memory_space<any>>
    %dma_wait3A_609 = arith.constant 0 : i32
    %dma_wait3A_610 = arith.constant 0 : i32
    %dma_wait3A_611 = tpu.memref_slice %arg41[%rem3A_600, %dma_wait3A_609, %dma_wait3A_610] : memref<16x4000x128xf32, #tpu.memory_space<vmem>> -> memref<1x4000x128xf32, #tpu.memory_space<vmem>>
    %dma_wait3A_612 = tpu.memref_squeeze %dma_wait3A_611 : memref<1x4000x128xf32, #tpu.memory_space<vmem>> -> memref<4000x128xf32, #tpu.memory_space<vmem>>
    tpu.wait_dma2 semaphore(%dma_wait3A_605 : memref<!tpu.dma_semaphore, #tpu.memory_space<semaphore_mem>>) src(%dma_wait3A_612 : memref<4000x128xf32, #tpu.memory_space<vmem>>) dst(%dma_wait3A_608 : memref<4000x128xf32, #tpu.memory_space<any>>)
    %scan3A_613 = arith.constant 0 : i32
    %scan3A_614 = arith.constant 128 : i32
    %scan3A_615 = arith.addi %scan3A_613, %scan3A_614 : i32
    %scan3A_616 = arith.constant 1 : i32
    scf.for %scan3A_623 = %scan3A_613 to %scan3A_615 step %scan3A_616  : i32 {
      %add3A_624 = arith.constant 128 : i32
      %add3A_625 = arith.addi %add3A_624, %scan3A_623 : i32
      %get3A_626 = arith.index_cast %scan3A_623 : i32 to index
      %get3A_627 = memref.load %arg8[%get3A_626] : memref<128xi32, #tpu.memory_space<smem>>
      %add3A_628 = arith.constant 128 : i32
      %add3A_629 = arith.addi %add3A_628, %scan3A_623 : i32
      %get3A_630 = arith.index_cast %scan3A_623 : i32 to index
      %get3A_631 = memref.load %arg9[%get3A_630] : memref<128xi32, #tpu.memory_space<smem>>
      %get3A_632 = arith.index_cast %scan3A_623 : i32 to index
      %get3A_633 = memref.load %arg13[%get3A_632] : memref<128xi32, #tpu.memory_space<smem>>
      %ne3A = arith.constant 0 : i32
      %ne3A_634 = arith.cmpi ne, %get3A_633, %ne3A : i32
      %convert_element_type3A = arith.extui %ne3A_634 : i1 to i32
      %cond3A = arith.constant 0 : i32
      %cond3A_635 = arith.cmpi ne, %convert_element_type3A, %cond3A : i32
      scf.if %cond3A_635 {
        %dma_start3A_643 = arith.constant 0 : i32
        %dma_start3A_644 = tpu.memref_slice %arg33[%get3A_627, %dma_start3A_643] : memref<200000x128xf32, #tpu.memory_space<any>> -> memref<1x128xf32, #tpu.memory_space<any>>
        %dma_start3A_645 = arith.constant 0 : i32
        %dma_start3A_646 = tpu.memref_slice %arg35[%add3A_625, %dma_start3A_645] : memref<256x128xf32, #tpu.memory_space<vmem>> -> memref<1x128xf32, #tpu.memory_space<vmem>>
        tpu.enqueue_dma source(%dma_start3A_646 : memref<1x128xf32, #tpu.memory_space<vmem>>) target(%dma_start3A_644 : memref<1x128xf32, #tpu.memory_space<any>>) target_semaphore(%arg44 : memref<!tpu.dma_semaphore, #tpu.memory_space<semaphore_mem>>)
      } else {
      }
      %get3A_636 = arith.index_cast %scan3A_623 : i32 to index
      %get3A_637 = memref.load %arg14[%get3A_636] : memref<128xi32, #tpu.memory_space<smem>>
      %ne3A_638 = arith.constant 0 : i32
      %ne3A_639 = arith.cmpi ne, %get3A_637, %ne3A_638 : i32
      %convert_element_type3A_640 = arith.extui %ne3A_639 : i1 to i32
      %cond3A_641 = arith.constant 0 : i32
      %cond3A_642 = arith.cmpi ne, %convert_element_type3A_640, %cond3A_641 : i32
      scf.if %cond3A_642 {
        %dma_start3A_643 = arith.constant 0 : i32
        %dma_start3A_644 = tpu.memref_slice %arg33[%get3A_631, %dma_start3A_643] : memref<200000x128xf32, #tpu.memory_space<any>> -> memref<1x128xf32, #tpu.memory_space<any>>
        %dma_start3A_645 = arith.constant 0 : i32
        %dma_start3A_646 = tpu.memref_slice %arg36[%add3A_629, %dma_start3A_645] : memref<384x128xf32, #tpu.memory_space<vmem>> -> memref<1x128xf32, #tpu.memory_space<vmem>>
        tpu.enqueue_dma source(%dma_start3A_646 : memref<1x128xf32, #tpu.memory_space<vmem>>) target(%dma_start3A_644 : memref<1x128xf32, #tpu.memory_space<any>>) target_semaphore(%arg44 : memref<!tpu.dma_semaphore, #tpu.memory_space<semaphore_mem>>)
      } else {
      }
    }
    %scan3A_617 = arith.constant 128 : i32
    %scan3A_618 = arith.constant 0 : i32
    %scan3A_619 = arith.constant 128 : i32
    %scan3A_620 = arith.addi %scan3A_618, %scan3A_619 : i32
    %scan3A_621 = arith.constant 1 : i32
    scf.for %scan3A_623 = %scan3A_618 to %scan3A_620 step %scan3A_621  : i32 {
      %add3A_624 = arith.constant 128 : i32
      %add3A_625 = arith.addi %add3A_624, %scan3A_623 : i32
      %get3A_626 = arith.index_cast %scan3A_623 : i32 to index
      %get3A_627 = memref.load %arg8[%get3A_626] : memref<128xi32, #tpu.memory_space<smem>>
      %add3A_628 = arith.constant 128 : i32
      %add3A_629 = arith.addi %add3A_628, %scan3A_623 : i32
      %get3A_630 = arith.index_cast %scan3A_623 : i32 to index
      %get3A_631 = memref.load %arg9[%get3A_630] : memref<128xi32, #tpu.memory_space<smem>>
      %get3A_632 = arith.index_cast %scan3A_623 : i32 to index
      %get3A_633 = memref.load %arg13[%get3A_632] : memref<128xi32, #tpu.memory_space<smem>>
      %ne3A = arith.constant 0 : i32
      %ne3A_634 = arith.cmpi ne, %get3A_633, %ne3A : i32
      %convert_element_type3A = arith.extui %ne3A_634 : i1 to i32
      %cond3A = arith.constant 0 : i32
      %cond3A_635 = arith.cmpi ne, %convert_element_type3A, %cond3A : i32
      scf.if %cond3A_635 {
        %dma_wait3A_643 = arith.constant 0 : i32
        %dma_wait3A_644 = tpu.memref_slice %arg33[%get3A_627, %dma_wait3A_643] : memref<200000x128xf32, #tpu.memory_space<any>> -> memref<1x128xf32, #tpu.memory_space<any>>
        %dma_wait3A_645 = arith.constant 0 : i32
        %dma_wait3A_646 = tpu.memref_slice %arg35[%add3A_625, %dma_wait3A_645] : memref<256x128xf32, #tpu.memory_space<vmem>> -> memref<1x128xf32, #tpu.memory_space<vmem>>
        tpu.wait_dma2 semaphore(%arg44 : memref<!tpu.dma_semaphore, #tpu.memory_space<semaphore_mem>>) src(%dma_wait3A_646 : memref<1x128xf32, #tpu.memory_space<vmem>>) dst(%dma_wait3A_644 : memref<1x128xf32, #tpu.memory_space<any>>)
      } else {
      }
      %get3A_636 = arith.index_cast %scan3A_623 : i32 to index
      %get3A_637 = memref.load %arg14[%get3A_636] : memref<128xi32, #tpu.memory_space<smem>>
      %ne3A_638 = arith.constant 0 : i32
      %ne3A_639 = arith.cmpi ne, %get3A_637, %ne3A_638 : i32
      %convert_element_type3A_640 = arith.extui %ne3A_639 : i1 to i32
      %cond3A_641 = arith.constant 0 : i32
      %cond3A_642 = arith.cmpi ne, %convert_element_type3A_640, %cond3A_641 : i32
      scf.if %cond3A_642 {
        %dma_wait3A_643 = arith.constant 0 : i32
        %dma_wait3A_644 = tpu.memref_slice %arg33[%get3A_631, %dma_wait3A_643] : memref<200000x128xf32, #tpu.memory_space<any>> -> memref<1x128xf32, #tpu.memory_space<any>>
        %dma_wait3A_645 = arith.constant 0 : i32
        %dma_wait3A_646 = tpu.memref_slice %arg36[%add3A_629, %dma_wait3A_645] : memref<384x128xf32, #tpu.memory_space<vmem>> -> memref<1x128xf32, #tpu.memory_space<vmem>>
        tpu.wait_dma2 semaphore(%arg44 : memref<!tpu.dma_semaphore, #tpu.memory_space<semaphore_mem>>) src(%dma_wait3A_646 : memref<1x128xf32, #tpu.memory_space<vmem>>) dst(%dma_wait3A_644 : memref<1x128xf32, #tpu.memory_space<any>>)
      } else {
      }
    }
    %scan3A_622 = arith.constant 128 : i32
    return
  }
}

</mosaic_0001>

<sc_bundles>
// kernel: kernel.4.cloned.1.call-start
scs
__scs_entry_jumppad:
0x0: {  	(pc) =	sbr.rel $0x88, $3  }
0x1: {  	(tag) =	ssettag $0x0;
	lr =	simm.s32 $0x1  }
0x2: {  	[smem:$0x3F8A] =	sst lr;
	_ =	strace $0xD0000000  }
0x3: {  	_ = 	snop  }
0x4: {  	_ = 	snop  }
0x5: {  	_ = 	snop  }
0x6: {  	_ = 	snop  }
0x7: {  	_ = 	snop  }
__scs_overlays_trampoline_lowered:
0x8: {  	[smem:$0x3F99] =	sst s0  }
0x9: {  	[smem:$0x3F9A] =	sst s1  }
0xa: {  	[smem:$0x3F9B] =	sst s2  }
0xb: {  	[smem:$0x3F9C] =	sst s3  }
0xc: {  	[smem:$0x3F9D] =	sst s4  }
0xd: {  	[smem:$0x3F9E] =	sst s5  }
0xe: {  	[smem:$0x3F9F] =	sst s6  }
0xf: {  	[smem:$0x3FA0] =	sst s7  }
0x10: {  	[smem:$0x3FA1] =	sst s8  }
0x11: {  	[smem:$0x3FA2] =	sst s9;
	s0 =	simm.s32 @!p0 $0x0  }
0x12: {  	s1 =	sld [smem:$0x3F88];
	s0 =	simm.s32 @p0 $0x1  }
0x13: {  	[smem:$0x3FA3] =	sst s0;
	s0 =	simm.s32 @!p1 $0x0  }
0x14: {  	s2 =	sld [smem:$0x3F87];
	s0 =	simm.s32 @p1 $0x1  }
0x15: {  	[smem:$0x3FA4] =	sst s0;
	s0 =	simm.s32 @!p2 $0x0  }
0x16: {  	s3 =	sld [smem:$0x3FDB];
	s0 =	simm.s32 @p2 $0x1  }
0x17: {  	s4 =	simm.s32 $0x1BF5;
	[smem:$0x3FA6] =	sst s0  }
0x18: {  	s0 =	sld [smem:$0x3F89];
	_ =	swait.ge [sflag:s4], $0x0  }
0x19: {  	s7 =	sld [smem:$0x3F8A]  }
0x1a: {  	s8 =	sadd.s32 $0xFFFFE003, lr  }
0x1b: {  	s9 =	sadd.s32 $0xFFFFFEF7, lr;
	s5 =	simm.s32 $0xFFFFFFFF;
	p2 =	slt.u32 s8, $0xFFFFF086  }
0x1c: {  	p1 =	slt.u32 s9, $0xF7A;
	s5 =	simm.s32 @!p2 $0x0  }
0x1d: {  	s5 =	simm.s32 @p1 $0x1;
	p0 =	seq.s32 s7, s2  }
0x1e: {  	s7 =	smul.u32 @!p0 $0xF7A, s2;
	p2 =	seq.s32 @!p0 s5, $0x0  }
0x1f: {  	s9 =	smul.u32 $0xF7A, s1;
	s8 =	simm.s32 @!p0 $0x1BF5;
	p2 =	por !p2, p0  }
0x20: {  	[sflag:s8] =	ssyncset.s32 @!p0 $0xFFFFF086;
	s6 =	sadd.s32 @!p0 s3, s7;
	s7 =	simm.s32 @!p0 $0x108  }
0x21: {  	s3 =	sadd.s32 s3, s9;
	s6 =	sadd.s32 @!p0 $0x88, s6;
	s7 =	simm.s32 @p2 $0x1082  }
0x22: {  	[simem:s7], [sflag:s8] =	dma.local @!p0 [hbm:s6], $0xF7A  }
0x23: {  	s9 =	sor.u32 $0xD0000000, s2;
	s6 =	simm.s32 $0x108;
	_ =	swait.ge @!p0 [sflag:s8], $0x0  }
0x24: {  	s3 =	sadd.s32 $0x88, s3;
	s6 =	simm.s32 @!p1 $0x1082;
	[sflag:s4] =	ssyncset.s32 $0xFFFFF086  }
0x25: {  	[simem:s6], [sflag:s4] =	dma.local [hbm:s3], $0xF7A  }
0x26: {  	[smem:$0x3F8A] =	sst s1;
	(tag) =	ssettag s2;
	_ =	strace s9  }
0x27: {  	s1 =	sld [smem:$0x3F9A]  }
0x28: {  	s2 =	sld [smem:$0x3F9B]  }
0x29: {  	s4 =	sld [smem:$0x3F9D]  }
0x2a: {  	p0 =	seq.s32 s5, $0x0;
	s5 =	sld [smem:$0x3F9E]  }
0x2b: {  	s6 =	sld [smem:$0x3F9F]  }
0x2c: {  	s7 =	sld [smem:$0x3FA0]  }
0x2d: {  	s3 =	simm.s32 $0x108;
	s8 =	sld [smem:$0x3FA1]  }
0x2e: {  	s3 =	simm.s32 @!p0 $0x1082;
	s9 =	sld [smem:$0x3FA2]  }
0x2f: {  	lr =	sadd.s32 s0, s3;
	s0 =	sld [smem:$0x3F99]  }
0x30: {  	s3 =	sld [smem:$0x3F9C]  }
0x31: {  	[smem:$0x3FA5] =	sst s10  }
0x32: {  	s10 =	sld [smem:$0x3FA3];
	_ =	sdelay $0x3  }
0x33: {  	p0 =	seq.s32 s10, $0x1;
	s10 =	sld [smem:$0x3FA5];
	_ =	sdelay $0x3  }
0x34: {  	[smem:$0x3FA5] =	sst s10  }
0x35: {  	s10 =	sld [smem:$0x3FA4];
	_ =	sdelay $0x3  }
0x36: {  	p1 =	seq.s32 s10, $0x1;
	s10 =	sld [smem:$0x3FA5];
	_ =	sdelay $0x3  }
0x37: {  	[smem:$0x3FA5] =	sst s10  }
0x38: {  	s10 =	sld [smem:$0x3FA6]  }
0x39: {  	_ = 	snop;
	(pc) =	sbr.ind lr, $3  }
0x3a: {  	_ = 	snop  }
0x3b: {  	_ = 	snop  }
0x3c: {  	p2 =	seq.s32 s10, $0x1;
	s10 =	sld [smem:$0x3FA5]  }
0x3d: {  	_ =	shalt  }
0x3e: {  	_ =	shalt  }
0x3f: {  	_ =	shalt  }
0x40: {  	_ =	shalt  }
0x41: {  	_ =	shalt  }
0x42: {  	_ =	shalt  }
0x43: {  	_ =	shalt  }
0x44: {  	_ =	shalt  }
0x45: {  	_ =	shalt  }
0x46: {  	_ =	shalt  }
0x47: {  	_ =	shalt  }
0x48: {  	_ =	shalt  }
0x49: {  	_ =	shalt  }
0x4a: {  	_ =	shalt  }
0x4b: {  	_ =	shalt  }
0x4c: {  	_ =	shalt  }
0x4d: {  	_ =	shalt  }
0x4e: {  	_ =	shalt  }
0x4f: {  	_ =	shalt  }
0x50: {  	_ =	shalt  }
0x51: {  	_ =	shalt  }
0x52: {  	_ =	shalt  }
0x53: {  	_ =	shalt  }
0x54: {  	_ =	shalt  }
0x55: {  	_ =	shalt  }
0x56: {  	_ =	shalt  }
0x57: {  	_ =	shalt  }
0x58: {  	_ =	shalt  }
0x59: {  	_ =	shalt  }
0x5a: {  	_ =	shalt  }
0x5b: {  	_ =	shalt  }
0x5c: {  	_ =	shalt  }
0x5d: {  	_ =	shalt  }
0x5e: {  	_ =	shalt  }
0x5f: {  	_ =	shalt  }
0x60: {  	_ =	shalt  }
0x61: {  	_ =	shalt  }
0x62: {  	_ =	shalt  }
0x63: {  	_ =	shalt  }
0x64: {  	_ =	shalt  }
0x65: {  	_ =	shalt  }
0x66: {  	_ =	shalt  }
0x67: {  	_ =	shalt  }
0x68: {  	_ =	shalt  }
0x69: {  	_ =	shalt  }
0x6a: {  	_ =	shalt  }
0x6b: {  	_ =	shalt  }
0x6c: {  	_ =	shalt  }
0x6d: {  	_ =	shalt  }
0x6e: {  	_ =	shalt  }
0x6f: {  	_ =	shalt  }
0x70: {  	_ =	shalt  }
0x71: {  	_ =	shalt  }
0x72: {  	_ =	shalt  }
0x73: {  	_ =	shalt  }
0x74: {  	_ =	shalt  }
0x75: {  	_ =	shalt  }
0x76: {  	_ =	shalt  }
0x77: {  	_ =	shalt  }
0x78: {  	_ =	shalt  }
0x79: {  	_ =	shalt  }
0x7a: {  	_ =	shalt  }
0x7b: {  	_ =	shalt  }
0x7c: {  	_ =	shalt  }
0x7d: {  	_ =	shalt  }
0x7e: {  	_ =	shalt  }
0x7f: {  	_ =	shalt  }
0x80: {  	_ =	shalt  }
0x81: {  	_ =	shalt  }
0x82: {  	_ =	shalt  }
0x83: {  	_ =	shalt  }
0x84: {  	_ =	shalt  }
0x85: {  	_ =	shalt  }
0x86: {  	_ =	shalt  }
0x87: {  	_ =	shalt  }
.Lfunc_end0:
.L_simem_size_0:
called_computation_lowered:
.L_overlay_start_0:
0x88: {  	s2 =	sld [smem:$0x3FD9]  }
0x89: {  	s3 =	sld [smem:$0x3FFE];
	_ =	sdelay $0x1  }
0x8a: {  	s1 =	srdreg.scid  }
0x8b: {  	s0 =	sand.u32 $0x1, s1  }
0x8c: {  	s14 =	sshll.u32 s0, $0xA;
	s2 =	sadd.s32 s3, s2  }
0x8d: {  	s2 =	sadd.s32 s2, s14  }
0x8e: {  	[smem:$0x3FB1] =	sst s2  }
0x8f: {  	_ = 	snop  }
0x90: {  	s2 =	sld [smem:$0x3FD0];
	_ =	sdelay $0x2  }
0x91: {  	s4 =	simm.s32 $0xA;
	s5 =	simm.s32 $0x10;
	s15 =	sld [smem:$0x3FC9]  }
0x92: {  	[smem:s5], [sflag:s4] =	dma.local [hbm:s2], $0x1  }
0x93: {  	_ =	swait.eq [sflag:s4], $0x1  }
0x94: {  	[sflag:s4] =	ssyncset.done $0x0  }
0x95: {  	[sflag:s4] =	ssyncadd.s32 $0xFFFFFFFF  }
0x96: {  	s16 =	sld [smem:$0x10];
	(tm) =	ssettm $0x1  }
0x97: {  	s17 =	sld [smem:$0x3FFB];
	_ =	sdelay $0x3  }
0x98: {  	_ =	strace s17  }
0x99: {  	s4 =	sld [smem:$0x3FFC];
	_ =	sdelay $0x3  }
0x9a: {  	_ =	strace s4  }
0x9b: {  	s4 =	sld [smem:$0x3FFD];
	_ =	sdelay $0x3  }
0x9c: {  	_ =	strace s4  }
0x9d: {  	_ =	strace $0x8FFFFFFF  }
0x9e: {  	s18 =	sld [smem:$0x3FDB];
	_ =	sdelay $0x1  }
0x9f: {  	s19 =	simm.s32 $_scs_section_size  }
0xa0: {  	s6 =	simm.s32 $_size__tile_overlayer_lowered;
	s7 =	simm.s32 $_tile_overlayer_lowered  }
0xa1: {  	s22 =	simm.s32 $0x1BFF;
	s21 =	sshll.u32 s7, $0x1;
	s4 =	sadd.s32 s19, s18  }
0xa2: {  	s8 =	simm.s32 $0x0;
	s20 =	sshll.u32 s6, $0x1;
	s6 =	sadd.s32 s21, s4  }
0xa3: {  	[timem:s8], [sflag:s22] =	dma.local [hbm:s6], s20  }
0xa4: {  	_ =	swait.ge [sflag:s22], s20  }
0xa5: {  	s5 =	ssub.s32 $0x0, s20;
	[sflag:s22] =	ssyncset.done $0x0  }
0xa6: {  	[sflag:s22] =	ssyncadd.s32 s5;
	_ =	sdelay $0x1  }
0xa7: {  	s23 =	simm.s32 $0x1B8B  }
0xa8: {  	_ =	swait.ge [sflag:s23], $0x1  }
0xa9: {  	[sflag:s23] =	ssyncset.done $0x0  }
0xaa: {  	s25 =	simm.s32 $0x1B8E;
	s24 =	sld [smem:$0x3FFE];
	[sflag:s23] =	ssyncadd.s32 $0xFFFFFFFF  }
0xab: {  	s26 =	simm.s32 $execute0_lowered;
	[smem:$0x3FD2] =	sst s25  }
0xac: {  	s6 =	sshll.u32 s26, $0x1;
	_ =	strace $0x80000046;
	[dreg:$0x1] =	wrdreg $0xFFFFFFFF  }
0xad: {  	s28 =	simm.s32 $_size_execute0_lowered;
	s4 =	sadd.s32 s4, s6;
	[dreg:$0x0] =	wrdreg $0x0  }
0xae: {  	s6 =	sshll.u32 s28, $0x1;
	[dreg:$0x2] =	wrdreg s4  }
0xaf: {  	[dreg:$0x3] =	wrdreg s6  }
0xb0: {  	[dreg:$0x4] =	wrdreg $0xC0  }
0xb1: {  	_ =	task [dreg:s8], $0x5FFFF  }
0xb2: {  	[dreg:$0x1] =	wrdreg $0xFFFFFFFF  }
0xb3: {  	[dreg:$0x0] =	wrdreg $0x60  }
0xb4: {  	[dreg:$0x2] =	wrdreg s15  }
0xb5: {  	[dreg:$0x3] =	wrdreg s24  }
0xb6: {  	[dreg:$0x4] =	wrdreg s16  }
0xb7: {  	[dreg:$0x5] =	wrdreg $0x9  }
0xb8: {  	_ =	task.clear_ibuf [dreg:s8], $0x6FFFF;
	_ =	strace $0x90000046  }
0xb9: {  	s29 =	simm.s32 $0x9;
	_ =	strace $0x80000048  }
0xba: {  	_ =	swait.ge [sflag:s29], $0x1  }
0xbb: {  	[sflag:s29] =	ssyncadd.s32 $0xFFFFFFFF  }
0xbc: {  	_ =	strace $0x90000048  }
0xbd: {  	_ =	sfence  }
0xbe: {  	s30 =	sld [smem:$0x0];
	_ =	sdelay $0x2  }
0xbf: {  	s31 =	sshll.u32 s1, $0xD;
	s1 =	sshrl.u32 s1, $0x2  }
0xc0: {  	s3 =	sand.u32 $0x4000, s31;
	s1 =	sadd.s32 s1, s30  }
0xc1: {  	s0 =	sor.u32 s3, s0;
	s1 =	sshll.u32 s1, $0x11  }
0xc2: {  	s0 =	sor.u32 s1, s0  }
0xc3: {  	s0 =	sadd.s32 $0x8F2B, s0  }
0xc4: {  	[sflag:s0] =	ssyncadd.remote.s32 $0x1  }
0xc5: {  	_ =	sfence.sel $0xFFFF  }
0xc6: {  	[dreg:$0x0] =	wrdreg $0xFFFFFFFF;
	(pc) =	sbr.abs _section_cstart, $3  }
0xc7: {  	[dreg:$0x1] =	wrdreg $0xFFFFFFFF  }
0xc8: {  	_ =	task.clear_ibuf [dreg:s8], $0x2FFFF;
	_ =	strace $0x9FFFFFFF  }
0xc9: {  	(tm) =	ssettm $0x7FFFFFFF  }
tec
execute0_lowered:
.L_overlay_start_1:
0x0: {  	(tag) =	ssettag $0x1  }
0x1: {  	s2 =	srdreg.scid  }
0x2: {  	s1 =	rddreg [dreg:$0x0];
	s0 =	stileid.u32;
	s18 =	sand.u32 $0x1, s2  }
0x3: {  	s17 =	rddreg [dreg:$0x1];
	s31 =	sshll.u32 s0, $0x5;
	s4 =	sshll.u32 s18, $0x4  }
0x4: {  	s3 =	rddreg [dreg:$0x2];
	s19 =	sor.u32 s4, s31  }
0x5: {  	s2 =	rddreg [dreg:$0x3];
	s4 =	simm.s32 $0x0;
	s5 =	sshrl.u32 s19, $0x3  }
0x6: {  	[smem:$0x7FF] =	sst s4;
	s9 =	sadd.s32 s5, s17  }
0x7: {  	_ =	strace $0x80000047;
	s5 =	simm.s32 $0x2;
	s6 =	sadd.s32 $0x189C00, s9  }
0x8: {  	[tilespmem:s4], [sflag:$0x2] =	stream.linear.gather [hbm4b:s6+s4], $0x10, $0x38;
	[tilespmem:$0x1980] =	vst v63  }
0x9: {  	_ =	swait.ge [sflag:s5], $0x10  }
0xa: {  	[sflag:s5] =	ssyncset.done $0x0  }
0xb: {  	s8 =	simm.s32 $0x80;
	s7 =	sadd.s32 $0x189A00, s9;
	[sflag:s5] =	ssyncadd.s32 $0xFFFFFFF0  }
0xc: {  	[tilespmem:s8], [sflag:$0x2] =	stream.linear.gather [hbm4b:s7+s4], $0x10, $0x38;
	[tilespmem:$0x1980] =	vst v63  }
0xd: {  	_ =	swait.ge [sflag:s5], $0x10  }
0xe: {  	[sflag:s5] =	ssyncset.done $0x0  }
0xf: {  	s10 =	simm.s32 $0x100;
	s9 =	sadd.s32 $0x189800, s9;
	[sflag:s5] =	ssyncadd.s32 $0xFFFFFFF0  }
0x10: {  	[tilespmem:s10], [sflag:$0x2] =	stream.linear.gather [hbm4b:s9+s4], $0x10, $0x38;
	[tilespmem:$0x1980] =	vst v63  }
0x11: {  	_ =	swait.ge [sflag:s5], $0x10  }
0x12: {  	[sflag:s5] =	ssyncset.done $0x0  }
0x13: {  	s11 =	simm.s32 $0x10;
	s12 =	simm.s32 $0x180;
	[sflag:s5] =	ssyncadd.s32 $0xFFFFFFF0  }
0x14: {  	[tilespmem:s12], [sflag:$0x1] =	stream.indirect.gather [hbm4b:s1+s11], $0x80, s4, s11, $0xb8;
	[tilespmem:$0x1980] =	vst v63  }
0x15: {  	s14 =	simm.s32 $0x980;
	s13 =	sadd.s32 $0x2E00, s17  }
0x16: {  	[tilespmem:s14], [sflag:$0x1] =	stream.indirect.gather [hbm4b:s13+s11], $0x80, s8, s11, $0xb8;
	[tilespmem:$0x1980] =	vst v63  }
0x17: {  	s15 =	simm.s32 $0x1180;
	s16 =	simm.s32 $0x1  }
0x18: {  	[tilespmem:s15], [sflag:$0x1] =	stream.indirect.gather [hbm4b:s3+s11], $0x80, s10, s11, $0xb8;
	[tilespmem:$0x1980] =	vst v63  }
0x19: {  	_ =	swait.ge [sflag:s16], $0x800  }
0x1a: {  	[sflag:s16] =	ssyncset.done $0x0  }
0x1b: {  	[sflag:s16] =	ssyncadd.s32 $0xFFFFF800  }
0x1c: {  	_ =	swait.ge [sflag:s16], $0x800  }
0x1d: {  	[sflag:s16] =	ssyncset.done $0x0  }
0x1e: {  	[sflag:s16] =	ssyncadd.s32 $0xFFFFF800  }
0x1f: {  	s19 =	sshll.u32 s19, $0x4;
	_ =	swait.ge [sflag:s16], $0x800  }
0x20: {  	s19 =	sadd.s32 s19, s17;
	[sflag:s16] =	ssyncset.done $0x0  }
0x21: {  	s20 =	ssub.s32 $0x2, s18;
	s17 =	sadd.s32 $0x189E00, s19;
	[sflag:s16] =	ssyncadd.s32 $0xFFFFF800  }
0x22: {  	[hbm4b:s17+s4] =	stream.linear.scatter [tilespmem:s12], [sflag:$0x2], $0x800, $0x38;
	[tilespmem:$0x1980] =	vst v63  }
0x23: {  	s21 =	sshrl.u32 s20, $0x1;
	_ =	swait.ge [sflag:s5], $0x800  }
0x24: {  	s20 =	ssub.s32 s20, s21;
	[sflag:s5] =	ssyncset.done $0x0  }
0x25: {  	s20 =	smax.u32 s20, $0x1;
	s18 =	sadd.s32 $0x18BE00, s19;
	[sflag:s5] =	ssyncadd.s32 $0xFFFFF800  }
0x26: {  	[hbm4b:s18+s4] =	stream.linear.scatter [tilespmem:s14], [sflag:$0x2], $0x800, $0x38;
	[tilespmem:$0x1980] =	vst v63  }
0x27: {  	p0 =	sne.s32 s20, $0x1;
	_ =	swait.ge [sflag:s5], $0x800  }
.Ltmp0:
0x28: {  	[sflag:s5] =	ssyncset.done $0x0;
	(pc) =	sbr.rel @!p0 .LBB2_2-.Ltmp0, $4  }
0x29: {  	s19 =	sadd.s32 $0x18DE00, s19;
	[sflag:s5] =	ssyncadd.s32 $0xFFFFF800  }
0x2a: {  	[hbm4b:s19+s4] =	stream.linear.scatter [tilespmem:s15], [sflag:$0x2], $0x800, $0x38;
	[tilespmem:$0x1980] =	vst v63  }
0x2b: {  	_ =	swait.ge [sflag:s5], $0x800  }
0x2c: {  	s20 =	sadd.s32 $0xFFFFFFFF, s20;
	[sflag:s5] =	ssyncset.done $0x0  }
.LBB2_1:
0x2d: {  	p0 =	sne.s32 s20, $0x1;
	s20 =	sadd.s32 $0xFFFFFFFF, s20;
	[sflag:s5] =	ssyncadd.s32 $0xFFFFF800  }
0x2e: {  	[tilespmem:s4], [sflag:$0x2] =	stream.linear.gather [hbm4b:s6+s4], $0x10, $0x38;
	[tilespmem:$0x1980] =	vst v63  }
0x2f: {  	_ =	swait.ge [sflag:s5], $0x10  }
0x30: {  	[sflag:s5] =	ssyncset.done $0x0  }
0x31: {  	[sflag:s5] =	ssyncadd.s32 $0xFFFFFFF0  }
0x32: {  	[tilespmem:s8], [sflag:$0x2] =	stream.linear.gather [hbm4b:s7+s4], $0x10, $0x38;
	[tilespmem:$0x1980] =	vst v63  }
0x33: {  	_ =	swait.ge [sflag:s5], $0x10  }
0x34: {  	[sflag:s5] =	ssyncset.done $0x0  }
0x35: {  	[sflag:s5] =	ssyncadd.s32 $0xFFFFFFF0  }
0x36: {  	[tilespmem:s10], [sflag:$0x2] =	stream.linear.gather [hbm4b:s9+s4], $0x10, $0x38;
	[tilespmem:$0x1980] =	vst v63  }
0x37: {  	_ =	swait.ge [sflag:s5], $0x10  }
0x38: {  	[sflag:s5] =	ssyncset.done $0x0  }
0x39: {  	[sflag:s5] =	ssyncadd.s32 $0xFFFFFFF0  }
0x3a: {  	[tilespmem:s12], [sflag:$0x1] =	stream.indirect.gather [hbm4b:s1+s11], $0x80, s4, s11, $0xb8;
	[tilespmem:$0x1980] =	vst v63  }
0x3b: {  	_ = 	snop  }
0x3c: {  	[tilespmem:s14], [sflag:$0x1] =	stream.indirect.gather [hbm4b:s13+s11], $0x80, s8, s11, $0xb8;
	[tilespmem:$0x1980] =	vst v63  }
0x3d: {  	_ = 	snop  }
0x3e: {  	[tilespmem:s15], [sflag:$0x1] =	stream.indirect.gather [hbm4b:s3+s11], $0x80, s10, s11, $0xb8;
	[tilespmem:$0x1980] =	vst v63  }
0x3f: {  	_ =	swait.ge [sflag:s16], $0x800  }
0x40: {  	[sflag:s16] =	ssyncset.done $0x0  }
0x41: {  	[sflag:s16] =	ssyncadd.s32 $0xFFFFF800  }
0x42: {  	_ =	swait.ge [sflag:s16], $0x800  }
0x43: {  	[sflag:s16] =	ssyncset.done $0x0  }
0x44: {  	[sflag:s16] =	ssyncadd.s32 $0xFFFFF800  }
0x45: {  	_ =	swait.ge [sflag:s16], $0x800  }
0x46: {  	[sflag:s16] =	ssyncset.done $0x0  }
0x47: {  	[sflag:s16] =	ssyncadd.s32 $0xFFFFF800  }
0x48: {  	[hbm4b:s17+s4] =	stream.linear.scatter [tilespmem:s12], [sflag:$0x2], $0x800, $0x38;
	[tilespmem:$0x1980] =	vst v63  }
0x49: {  	_ =	swait.ge [sflag:s5], $0x800  }
0x4a: {  	[sflag:s5] =	ssyncset.done $0x0  }
0x4b: {  	[sflag:s5] =	ssyncadd.s32 $0xFFFFF800  }
0x4c: {  	[hbm4b:s18+s4] =	stream.linear.scatter [tilespmem:s14], [sflag:$0x2], $0x800, $0x38;
	[tilespmem:$0x1980] =	vst v63  }
0x4d: {  	_ =	swait.ge [sflag:s5], $0x800  }
.Ltmp1:
0x4e: {  	[sflag:s5] =	ssyncset.done $0x0;
	(pc) =	sbr.rel @p0 .LBB2_1-.Ltmp1, $4  }
0x4f: {  	[sflag:s5] =	ssyncadd.s32 $0xFFFFF800  }
0x50: {  	[hbm4b:s19+s4] =	stream.linear.scatter [tilespmem:s15], [sflag:$0x2], $0x800, $0x38;
	[tilespmem:$0x1980] =	vst v63  }
0x51: {  	_ =	swait.ge [sflag:s5], $0x800  }
0x52: {  	[sflag:s5] =	ssyncset.done $0x0  }
.LBB2_2:
0x53: {  	[sflag:s5] =	ssyncadd.s32 $0xFFFFF800  }
0x54: {  	_ =	sfence.sel $0x180000  }
0x55: {  	[bflag:$0x0] =	sbarrier.arrive $0xFFFF  }
0x56: {  	p0 =	sne.s32 s0, $0x0;
	_ =	strace $0x90000047  }
0x57: {  	s0 =	sadd.s32 @!p0 $0x100000, s2;
	[bflag:$0x2] =	sbarrier.arrive $0xFFFF  }
0x58: {  	[sflag:s0] =	ssyncadd.tile.s32 @!p0 $0x1;
	_ =	shalt  }
.Lfunc_end2:
_tile_overlayer_lowered:
.L_overlay_start_2:
0x59: {  	(tag) =	ssettag $0x2  }
0x5a: {  	s0 =	rddreg [dreg:$0x0];
	s2 =	stileid.u32  }
0x5b: {  	s1 =	rddreg [dreg:$0x1];
	p0 =	sne.s32 s2, $0x0  }
0x5c: {  	s3 =	rddreg [dreg:$0x2];
	[bflag:$0x3] =	sbarrier.arrive $0xFFFF;
	s2 =	simm.s32 @!p0 $0x1C02  }
0x5d: {  	[timem:s3], [sflag:s2] =	dma.local @!p0 [hbm:s0], s1  }
0x5e: {  	s0 =	simm.s32 @!p0 $0x2  }
0x5f: {  	_ =	swait.ge @!p0 [sflag:s0], s1  }
0x60: {  	s1 =	ssub.s32 @!p0 $0x0, s1;
	[sflag:s0] =	ssyncset.done @!p0 $0x0  }
0x61: {  	[sflag:s0] =	ssyncadd.s32 @!p0 s1  }
0x62: {  	[bflag:$0x3] =	sbarrier.arrive $0xFFFF  }
0x63: {  	_ =	shalt  }

</sc_bundles>
